<compile_context>
chip_gen: v7x
topology: tpu7x:2x2x1
jax: 0.10.2.dev20260603
libtpu: 0.0.44.dev20260713+nightly
codegen_flags: <defaults>
</compile_context>

<pallas_src>
import functools

import jax
import jax.numpy as jnp
from jax import lax
from jax.experimental import pallas as pl
from jax.experimental.pallas import tpu as pltpu
from jax.experimental.pallas import tpu_sc as plsc

N = 10000
N_PAD = 10240
E = 320000
D_IN = 128
D_OUT = 128
DH = D_IN // 2

NC = 2
NS = 16
K = 128
NB = 160
EPT = NB * K
EPT_REAL = E // NS
PAD = EPT - EPT_REAL
NBUF = 5
ROWS_PER_TILE = N_PAD // NS


def _sc_body(row_hbm, col_hbm, x_hbm, out_hbm,
             row_v, col_v, rows0, rows1, rows2, rows3, rows4,
             acc, sg0, sg1, sg2, sg3, sg4, ss0, ss1, ss2, ss3, ss4):
    c = lax.axis_index("c")
    s = lax.axis_index("s")

    rows = (rows0, rows1, rows2, rows3, rows4)
    sg = (sg0, sg1, sg2, sg3, sg4)
    ss = (ss0, ss1, ss2, ss3, ss4)

    pltpu.async_copy(row_hbm.at[s], row_v, ss0)
    pltpu.async_copy(col_hbm.at[s], col_v, ss1)

    zeros = jnp.zeros((16,), jnp.float32)

    def _zero(i, carry):
        for j in range(DH // 16):
            rows0[i, pl.ds(j * 16, 16)] = zeros
        return carry

    lax.fori_loop(0, K, _zero, 0)
    NZ = ROWS_PER_TILE // K
    for kk in range(NZ):
        pltpu.async_copy(rows0, acc.at[pl.ds(s * ROWS_PER_TILE + kk * K, K)], sg0)
    for kk in range(NZ):
        pltpu.make_async_copy(rows0, acc.at[pl.ds(s * ROWS_PER_TILE, K)], sg0).wait()
    pltpu.make_async_copy(row_hbm.at[s], row_v, ss0).wait()
    pltpu.make_async_copy(col_hbm.at[s], col_v, ss1).wait()

    def _xform(j):
        for k in range(K // 16):
            v = col_v[j, pl.ds(16 * k, 16)]
            col_v[j, pl.ds(16 * k, 16)] = v + v + c

    def _gather(j, b):
        pltpu.async_copy(x_hbm.at[col_v.at[j]], rows[b], sg[b])

    def _gather_wait(b):
        pltpu.make_async_copy(x_hbm.at[col_v.at[0]], rows[b], sg[b]).wait()

    def _scatter(j, b):
        pltpu.async_copy(rows[b], acc.at[row_v.at[j]], ss[b], add=True)

    def _scatter_wait(b):
        pltpu.make_async_copy(x_hbm.at[col_v.at[0]], rows[b], ss[b]).wait()

    _xform(0)
    _gather(0, 0)
    _xform(1)
    _gather(1, 1)
    plsc.subcore_barrier()

    def _group(g, carry):
        for b in range(NBUF):
            j = NBUF * g + b
            nb = (b + 2) % NBUF
            if b < 3:
                @pl.when(g > 0)
                def _():
                    _scatter_wait(nb)
                _xform(j + 2)
                _gather(j + 2, nb)
            else:
                _scatter_wait(nb)
                @pl.when(g < NB // NBUF - 1)
                def _():
                    _xform(j + 2)
                    _gather(j + 2, nb)
            _gather_wait(b)
            _scatter(j, b)
        return carry

    lax.fori_loop(0, NB // NBUF, _group, 0)
    _scatter_wait(2)
    _scatter_wait(3)
    _scatter_wait(4)
    plsc.subcore_barrier()

    NW = ROWS_PER_TILE // K

    def _wsl(kk):
        return pl.ds(s * ROWS_PER_TILE + kk * K, K)

    pltpu.async_copy(acc.at[_wsl(0)], rows[0], sg[0])
    for kk in range(NW):
        b = kk % 2
        pltpu.make_async_copy(acc.at[_wsl(kk)], rows[b], sg[b]).wait()
        if kk >= 1:
            pltpu.make_async_copy(rows[1 - b], out_hbm.at[_wsl(kk - 1), pl.ds(c * DH, DH)], ss[1 - b]).wait()
        if kk + 1 < NW:
            pltpu.async_copy(acc.at[_wsl(kk + 1)], rows[1 - b], sg[1 - b])
        pltpu.async_copy(rows[b], out_hbm.at[_wsl(kk), pl.ds(c * DH, DH)], ss[b])
    pltpu.make_async_copy(rows[(NW - 1) % 2], out_hbm.at[_wsl(NW - 1), pl.ds(c * DH, DH)], ss[(NW - 1) % 2]).wait()


_sc_segment_sum = functools.partial(
    pl.kernel,
    out_type=jax.ShapeDtypeStruct((N_PAD, D_IN), jnp.float32),
    mesh=plsc.VectorSubcoreMesh(core_axis_name="c", subcore_axis_name="s"),
    compiler_params=pltpu.CompilerParams(use_tc_tiling_on_sc=False),
    scratch_types=[
        pltpu.VMEM((NB, K), jnp.int32),
        pltpu.VMEM((NB, K), jnp.int32),
        pltpu.VMEM((K, DH), jnp.float32),
        pltpu.VMEM((K, DH), jnp.float32),
        pltpu.VMEM((K, DH), jnp.float32),
        pltpu.VMEM((K, DH), jnp.float32),
        pltpu.VMEM((K, DH), jnp.float32),
        pltpu.VMEM_SHARED((N_PAD, DH), jnp.float32),
        pltpu.SemaphoreType.DMA,
        pltpu.SemaphoreType.DMA,
        pltpu.SemaphoreType.DMA,
        pltpu.SemaphoreType.DMA,
        pltpu.SemaphoreType.DMA,
        pltpu.SemaphoreType.DMA,
        pltpu.SemaphoreType.DMA,
        pltpu.SemaphoreType.DMA,
        pltpu.SemaphoreType.DMA,
        pltpu.SemaphoreType.DMA,
    ],
)(_sc_body)


def _mm_body(p_ref, w_ref, o_ref):
    o_ref[...] = jnp.maximum(
        jnp.dot(p_ref[...], w_ref[...], preferred_element_type=jnp.float32), 0.0
    )


_MM_BLOCK = 2000


def _mm_relu(p, w):
    return pl.pallas_call(
        _mm_body,
        grid=(N // _MM_BLOCK,),
        in_specs=[
            pl.BlockSpec((_MM_BLOCK, D_IN), lambda i: (i, 0)),
            pl.BlockSpec((D_IN, D_OUT), lambda i: (0, 0)),
        ],
        out_specs=pl.BlockSpec((_MM_BLOCK, D_OUT), lambda i: (i, 0)),
        out_shape=jax.ShapeDtypeStruct((N, D_OUT), jnp.float32),
    )(p, w)


def kernel(adj_edge_index, inputs, W):
    row_t = adj_edge_index[0].reshape(NS, EPT_REAL)
    col_t = adj_edge_index[1].reshape(NS, EPT_REAL)
    pad_r = N + (jnp.arange(PAD, dtype=jnp.int32) % (N_PAD - N))
    pad_c = (jnp.arange(PAD, dtype=jnp.int32) * 41) % N
    row_p = jnp.concatenate(
        [row_t, jnp.broadcast_to(pad_r, (NS, PAD))], axis=1).reshape(NS, NB, K)
    col_p = jnp.concatenate(
        [col_t, jnp.broadcast_to(pad_c, (NS, PAD))], axis=1).reshape(NS, NB, K)
    x_r = inputs.reshape(2 * N, DH)
    agg = _sc_segment_sum(row_p, col_p, x_r)
    return _mm_relu(agg, W)

# --- scband reference (transcript-rebuilt; emitter-appended) ---
"""Pipeline reference for scband-graph-convolution-sparse-42391327212274 (READ-ONLY COPY).

The authoritative reference and input builder live on the scoring server;
editing this copy changes nothing except your own understanding.
"""

import jax, jax.numpy as jnp
import numpy as np

N = 10000
E = 320000
D_IN = 128
D_OUT = 128


def setup_inputs(seed: int = 0) -> dict:
    key = jax.random.key(seed)
    k1, k2, k3 = jax.random.split(key, 3)
    inputs = jax.random.normal(k1, (N, D_IN), dtype=jnp.float32)
    adj_edge_index = jax.random.randint(k2, (2, E), 0, N, dtype=jnp.int32)
    # glorot-uniform weight per weight_variable_glorot(input_dim, output_dim)
    init_range = float(np.sqrt(6.0 / (D_IN + D_OUT)))
    W = jax.random.uniform(k3, (D_IN, D_OUT), minval=-init_range, maxval=init_range, dtype=jnp.float32)
    return {"adj_edge_index": adj_edge_index, "inputs": inputs, "W": W}


def reference(adj_edge_index, inputs, W):
    # dropout=0.0 -> keep_prob = 1.0; dropout_sparse keeps every nonzero element
    keep_prob = 1.0
    dkey = jax.random.key(42)
    random_tensor = keep_prob + jax.random.uniform(dkey, inputs.shape, dtype=inputs.dtype)
    dropout_mask = jnp.floor(random_tensor)  # all ones when keep_prob == 1.0
    x = inputs * dropout_mask * (1.0 / keep_prob)
    # x = spmm(features, weight)
    h = x @ W
    # x = spmm(adj, h): adjacency stored as COO edge list with unit values
    row = adj_edge_index[0]
    col = adj_edge_index[1]
    vals = jnp.ones((adj_edge_index.shape[1],), dtype=h.dtype)
    agg = jax.ops.segment_sum(vals[:, None] * h[col], row, num_segments=N)
    # act = ReLU
    return jax.nn.relu(agg)

if __name__ == "__main__":
    import jax
    _d = setup_inputs()
    print(jax.jit(kernel)(*tuple(_d.values())))

</pallas_src>

<mosaic_0001>
#map = affine_map<(d0, d1) -> (0, 0, 0)>
#map1 = affine_map<(d0, d1) -> (0, 0)>
module attributes {stable_mosaic.version = 14 : i64} {
  func.func @_sc_body(%arg0: i32, %arg1: i32, %arg2: memref<16x160x128xi32, #tpu.memory_space<hbm>>, %arg3: memref<16x160x128xi32, #tpu.memory_space<hbm>>, %arg4: memref<20000x64xf32, #tpu.memory_space<hbm>>, %arg5: memref<10240x128xf32, #tpu.memory_space<hbm>>, %arg6: memref<160x128xi32, #tpu.memory_space<vmem>>, %arg7: memref<160x128xi32, #tpu.memory_space<vmem>>, %arg8: memref<128x64xf32, #tpu.memory_space<vmem>>, %arg9: memref<128x64xf32, #tpu.memory_space<vmem>>, %arg10: memref<128x64xf32, #tpu.memory_space<vmem>>, %arg11: memref<128x64xf32, #tpu.memory_space<vmem>>, %arg12: memref<128x64xf32, #tpu.memory_space<vmem>>, %arg13: memref<10240x64xf32, #tpu.memory_space<vmem_shared>>, %arg14: memref<!tpu.dma_semaphore, #tpu.memory_space<semaphore_mem>>, %arg15: memref<!tpu.dma_semaphore, #tpu.memory_space<semaphore_mem>>, %arg16: memref<!tpu.dma_semaphore, #tpu.memory_space<semaphore_mem>>, %arg17: memref<!tpu.dma_semaphore, #tpu.memory_space<semaphore_mem>>, %arg18: memref<!tpu.dma_semaphore, #tpu.memory_space<semaphore_mem>>, %arg19: memref<!tpu.dma_semaphore, #tpu.memory_space<semaphore_mem>>, %arg20: memref<!tpu.dma_semaphore, #tpu.memory_space<semaphore_mem>>, %arg21: memref<!tpu.dma_semaphore, #tpu.memory_space<semaphore_mem>>, %arg22: memref<!tpu.dma_semaphore, #tpu.memory_space<semaphore_mem>>, %arg23: memref<!tpu.dma_semaphore, #tpu.memory_space<semaphore_mem>>) attributes {dimension_semantics = [#tpu.dimension_semantics<core_parallel>, #tpu.dimension_semantics<subcore_parallel>], iteration_bounds = array<i64: 2, 16>, scalar_prefetch = 0 : i64, scratch_operands = 18 : i64, tpu.core_type = #tpu.core_type<sc_vector_subcore>, window_params = [{transform_indices = #map}, {transform_indices = #map}, {transform_indices = #map1}, {transform_indices = #map1}]} {
    %dma_start3A = arith.constant 0 : i32
    %dma_start3A_0 = arith.constant 0 : i32
    %dma_start3A_1 = tpu.memref_slice %arg2[%arg1, %dma_start3A, %dma_start3A_0] : memref<16x160x128xi32, #tpu.memory_space<hbm>> -> memref<1x160x128xi32, #tpu.memory_space<hbm>>
    %dma_start3A_2 = tpu.memref_squeeze %dma_start3A_1 : memref<1x160x128xi32, #tpu.memory_space<hbm>> -> memref<160x128xi32, #tpu.memory_space<hbm>>
    %dma_start3A_3 = arith.constant 0 : i32
    %dma_start3A_4 = arith.constant 0 : i32
    %dma_start3A_5 = tpu.memref_slice %arg2[%arg1, %dma_start3A_3, %dma_start3A_4] : memref<16x160x128xi32, #tpu.memory_space<hbm>> -> memref<1x160x128xi32, #tpu.memory_space<hbm>>
    %dma_start3A_6 = tpu.memref_squeeze %dma_start3A_5 : memref<1x160x128xi32, #tpu.memory_space<hbm>> -> memref<160x128xi32, #tpu.memory_space<hbm>>
    tpu.enqueue_dma source(%dma_start3A_6 : memref<160x128xi32, #tpu.memory_space<hbm>>) target(%arg6 : memref<160x128xi32, #tpu.memory_space<vmem>>) target_semaphore(%arg19 : memref<!tpu.dma_semaphore, #tpu.memory_space<semaphore_mem>>)
    %dma_start3A_7 = arith.constant 0 : i32
    %dma_start3A_8 = arith.constant 0 : i32
    %dma_start3A_9 = tpu.memref_slice %arg3[%arg1, %dma_start3A_7, %dma_start3A_8] : memref<16x160x128xi32, #tpu.memory_space<hbm>> -> memref<1x160x128xi32, #tpu.memory_space<hbm>>
    %dma_start3A_10 = tpu.memref_squeeze %dma_start3A_9 : memref<1x160x128xi32, #tpu.memory_space<hbm>> -> memref<160x128xi32, #tpu.memory_space<hbm>>
    %dma_start3A_11 = arith.constant 0 : i32
    %dma_start3A_12 = arith.constant 0 : i32
    %dma_start3A_13 = tpu.memref_slice %arg3[%arg1, %dma_start3A_11, %dma_start3A_12] : memref<16x160x128xi32, #tpu.memory_space<hbm>> -> memref<1x160x128xi32, #tpu.memory_space<hbm>>
    %dma_start3A_14 = tpu.memref_squeeze %dma_start3A_13 : memref<1x160x128xi32, #tpu.memory_space<hbm>> -> memref<160x128xi32, #tpu.memory_space<hbm>>
    tpu.enqueue_dma source(%dma_start3A_14 : memref<160x128xi32, #tpu.memory_space<hbm>>) target(%arg7 : memref<160x128xi32, #tpu.memory_space<vmem>>) target_semaphore(%arg20 : memref<!tpu.dma_semaphore, #tpu.memory_space<semaphore_mem>>)
    %broadcast_in_dim3A = arith.constant 0.000000e+00 : f32
    %broadcast_in_dim3A_15 = vector.broadcast %broadcast_in_dim3A : f32 to vector<16xf32>
    %scan3A = arith.constant 0 : i32
    %scan3A_16 = arith.constant 0 : i32
    %scan3A_17 = arith.constant 128 : i32
    %scan3A_18 = arith.addi %scan3A_16, %scan3A_17 : i32
    %scan3A_19 = arith.constant 1 : i32
    scf.for %scan3A_528 = %scan3A_16 to %scan3A_18 step %scan3A_19  : i32 {
      %swap3A_529 = arith.index_cast %scan3A_528 : i32 to index
      %swap3A_530 = arith.constant 0 : index
      %swap3A_531 = tpu.vector_load %arg8[%swap3A_529, %swap3A_530] {strides = array<i32>} : memref<128x64xf32, #tpu.memory_space<vmem>>, vector<1x16xf32>,
      %swap3A_532 = vector.shape_cast %swap3A_531 : vector<1x16xf32> to vector<16xf32>
      %swap3A_533 = vector.shape_cast %broadcast_in_dim3A_15 : vector<16xf32> to vector<1x16xf32>
      tpu.vector_store %arg8[%swap3A_529, %swap3A_530], %swap3A_533 {strides = array<i32>} : memref<128x64xf32, #tpu.memory_space<vmem>>, vector<1x16xf32>,
      %swap3A_534 = arith.index_cast %scan3A_528 : i32 to index
      %swap3A_535 = arith.constant 16 : index
      %swap3A_536 = tpu.vector_load %arg8[%swap3A_534, %swap3A_535] {strides = array<i32>} : memref<128x64xf32, #tpu.memory_space<vmem>>, vector<1x16xf32>,
      %swap3A_537 = vector.shape_cast %swap3A_536 : vector<1x16xf32> to vector<16xf32>
      %swap3A_538 = vector.shape_cast %broadcast_in_dim3A_15 : vector<16xf32> to vector<1x16xf32>
      tpu.vector_store %arg8[%swap3A_534, %swap3A_535], %swap3A_538 {strides = array<i32>} : memref<128x64xf32, #tpu.memory_space<vmem>>, vector<1x16xf32>,
      %swap3A_539 = arith.index_cast %scan3A_528 : i32 to index
      %swap3A_540 = arith.constant 32 : index
      %swap3A_541 = tpu.vector_load %arg8[%swap3A_539, %swap3A_540] {strides = array<i32>} : memref<128x64xf32, #tpu.memory_space<vmem>>, vector<1x16xf32>,
      %swap3A_542 = vector.shape_cast %swap3A_541 : vector<1x16xf32> to vector<16xf32>
      %swap3A_543 = vector.shape_cast %broadcast_in_dim3A_15 : vector<16xf32> to vector<1x16xf32>
      tpu.vector_store %arg8[%swap3A_539, %swap3A_540], %swap3A_543 {strides = array<i32>} : memref<128x64xf32, #tpu.memory_space<vmem>>, vector<1x16xf32>,
      %swap3A_544 = arith.index_cast %scan3A_528 : i32 to index
      %swap3A_545 = arith.constant 48 : index
      %swap3A_546 = tpu.vector_load %arg8[%swap3A_544, %swap3A_545] {strides = array<i32>} : memref<128x64xf32, #tpu.memory_space<vmem>>, vector<1x16xf32>,
      %swap3A_547 = vector.shape_cast %swap3A_546 : vector<1x16xf32> to vector<16xf32>
      %swap3A_548 = vector.shape_cast %broadcast_in_dim3A_15 : vector<16xf32> to vector<1x16xf32>
      tpu.vector_store %arg8[%swap3A_544, %swap3A_545], %swap3A_548 {strides = array<i32>} : memref<128x64xf32, #tpu.memory_space<vmem>>, vector<1x16xf32>,
    }
    %scan3A_20 = arith.constant 128 : i32
    %mul3A = arith.constant 640 : i32
    %mul3A_21 = arith.muli %arg1, %mul3A : i32
    %add3A = arith.constant 0 : i32
    %add3A_22 = arith.addi %mul3A_21, %add3A : i32
    %dma_start3A_23 = arith.constant 0 : i32
    %dma_start3A_24 = tpu.memref_slice %arg13[%add3A_22, %dma_start3A_23] : memref<10240x64xf32, #tpu.memory_space<vmem_shared>> -> memref<128x64xf32, #tpu.memory_space<vmem_shared>>
    %dma_start3A_25 = arith.constant 0 : i32
    %dma_start3A_26 = tpu.memref_slice %arg13[%add3A_22, %dma_start3A_25] : memref<10240x64xf32, #tpu.memory_space<vmem_shared>> -> memref<128x64xf32, #tpu.memory_space<vmem_shared>>
    tpu.enqueue_dma source(%arg8 : memref<128x64xf32, #tpu.memory_space<vmem>>) target(%dma_start3A_26 : memref<128x64xf32, #tpu.memory_space<vmem_shared>>) target_semaphore(%arg14 : memref<!tpu.dma_semaphore, #tpu.memory_space<semaphore_mem>>)
    %mul3A_27 = arith.constant 640 : i32
    %mul3A_28 = arith.muli %arg1, %mul3A_27 : i32
    %add3A_29 = arith.constant 128 : i32
    %add3A_30 = arith.addi %mul3A_28, %add3A_29 : i32
    %dma_start3A_31 = arith.constant 0 : i32
    %dma_start3A_32 = tpu.memref_slice %arg13[%add3A_30, %dma_start3A_31] : memref<10240x64xf32, #tpu.memory_space<vmem_shared>> -> memref<128x64xf32, #tpu.memory_space<vmem_shared>>
    %dma_start3A_33 = arith.constant 0 : i32
    %dma_start3A_34 = tpu.memref_slice %arg13[%add3A_30, %dma_start3A_33] : memref<10240x64xf32, #tpu.memory_space<vmem_shared>> -> memref<128x64xf32, #tpu.memory_space<vmem_shared>>
    tpu.enqueue_dma source(%arg8 : memref<128x64xf32, #tpu.memory_space<vmem>>) target(%dma_start3A_34 : memref<128x64xf32, #tpu.memory_space<vmem_shared>>) target_semaphore(%arg14 : memref<!tpu.dma_semaphore, #tpu.memory_space<semaphore_mem>>)
    %mul3A_35 = arith.constant 640 : i32
    %mul3A_36 = arith.muli %arg1, %mul3A_35 : i32
    %add3A_37 = arith.constant 256 : i32
    %add3A_38 = arith.addi %mul3A_36, %add3A_37 : i32
    %dma_start3A_39 = arith.constant 0 : i32
    %dma_start3A_40 = tpu.memref_slice %arg13[%add3A_38, %dma_start3A_39] : memref<10240x64xf32, #tpu.memory_space<vmem_shared>> -> memref<128x64xf32, #tpu.memory_space<vmem_shared>>
    %dma_start3A_41 = arith.constant 0 : i32
    %dma_start3A_42 = tpu.memref_slice %arg13[%add3A_38, %dma_start3A_41] : memref<10240x64xf32, #tpu.memory_space<vmem_shared>> -> memref<128x64xf32, #tpu.memory_space<vmem_shared>>
    tpu.enqueue_dma source(%arg8 : memref<128x64xf32, #tpu.memory_space<vmem>>) target(%dma_start3A_42 : memref<128x64xf32, #tpu.memory_space<vmem_shared>>) target_semaphore(%arg14 : memref<!tpu.dma_semaphore, #tpu.memory_space<semaphore_mem>>)
    %mul3A_43 = arith.constant 640 : i32
    %mul3A_44 = arith.muli %arg1, %mul3A_43 : i32
    %add3A_45 = arith.constant 384 : i32
    %add3A_46 = arith.addi %mul3A_44, %add3A_45 : i32
    %dma_start3A_47 = arith.constant 0 : i32
    %dma_start3A_48 = tpu.memref_slice %arg13[%add3A_46, %dma_start3A_47] : memref<10240x64xf32, #tpu.memory_space<vmem_shared>> -> memref<128x64xf32, #tpu.memory_space<vmem_shared>>
    %dma_start3A_49 = arith.constant 0 : i32
    %dma_start3A_50 = tpu.memref_slice %arg13[%add3A_46, %dma_start3A_49] : memref<10240x64xf32, #tpu.memory_space<vmem_shared>> -> memref<128x64xf32, #tpu.memory_space<vmem_shared>>
    tpu.enqueue_dma source(%arg8 : memref<128x64xf32, #tpu.memory_space<vmem>>) target(%dma_start3A_50 : memref<128x64xf32, #tpu.memory_space<vmem_shared>>) target_semaphore(%arg14 : memref<!tpu.dma_semaphore, #tpu.memory_space<semaphore_mem>>)
    %mul3A_51 = arith.constant 640 : i32
    %mul3A_52 = arith.muli %arg1, %mul3A_51 : i32
    %add3A_53 = arith.constant 512 : i32
    %add3A_54 = arith.addi %mul3A_52, %add3A_53 : i32
    %dma_start3A_55 = arith.constant 0 : i32
    %dma_start3A_56 = tpu.memref_slice %arg13[%add3A_54, %dma_start3A_55] : memref<10240x64xf32, #tpu.memory_space<vmem_shared>> -> memref<128x64xf32, #tpu.memory_space<vmem_shared>>
    %dma_start3A_57 = arith.constant 0 : i32
    %dma_start3A_58 = tpu.memref_slice %arg13[%add3A_54, %dma_start3A_57] : memref<10240x64xf32, #tpu.memory_space<vmem_shared>> -> memref<128x64xf32, #tpu.memory_space<vmem_shared>>
    tpu.enqueue_dma source(%arg8 : memref<128x64xf32, #tpu.memory_space<vmem>>) target(%dma_start3A_58 : memref<128x64xf32, #tpu.memory_space<vmem_shared>>) target_semaphore(%arg14 : memref<!tpu.dma_semaphore, #tpu.memory_space<semaphore_mem>>)
    %mul3A_59 = arith.constant 640 : i32
    %mul3A_60 = arith.muli %arg1, %mul3A_59 : i32
    %dma_wait3A = arith.constant 0 : i32
    %dma_wait3A_61 = tpu.memref_slice %arg13[%mul3A_60, %dma_wait3A] : memref<10240x64xf32, #tpu.memory_space<vmem_shared>> -> memref<128x64xf32, #tpu.memory_space<vmem_shared>>
    %dma_wait3A_62 = arith.constant 0 : i32
    %dma_wait3A_63 = tpu.memref_slice %arg13[%mul3A_60, %dma_wait3A_62] : memref<10240x64xf32, #tpu.memory_space<vmem_shared>> -> memref<128x64xf32, #tpu.memory_space<vmem_shared>>
    tpu.wait_dma2 semaphore(%arg14 : memref<!tpu.dma_semaphore, #tpu.memory_space<semaphore_mem>>) src(%arg8 : memref<128x64xf32, #tpu.memory_space<vmem>>) dst(%dma_wait3A_63 : memref<128x64xf32, #tpu.memory_space<vmem_shared>>)
    %mul3A_64 = arith.constant 640 : i32
    %mul3A_65 = arith.muli %arg1, %mul3A_64 : i32
    %dma_wait3A_66 = arith.constant 0 : i32
    %dma_wait3A_67 = tpu.memref_slice %arg13[%mul3A_65, %dma_wait3A_66] : memref<10240x64xf32, #tpu.memory_space<vmem_shared>> -> memref<128x64xf32, #tpu.memory_space<vmem_shared>>
    %dma_wait3A_68 = arith.constant 0 : i32
    %dma_wait3A_69 = tpu.memref_slice %arg13[%mul3A_65, %dma_wait3A_68] : memref<10240x64xf32, #tpu.memory_space<vmem_shared>> -> memref<128x64xf32, #tpu.memory_space<vmem_shared>>
    tpu.wait_dma2 semaphore(%arg14 : memref<!tpu.dma_semaphore, #tpu.memory_space<semaphore_mem>>) src(%arg8 : memref<128x64xf32, #tpu.memory_space<vmem>>) dst(%dma_wait3A_69 : memref<128x64xf32, #tpu.memory_space<vmem_shared>>)
    %mul3A_70 = arith.constant 640 : i32
    %mul3A_71 = arith.muli %arg1, %mul3A_70 : i32
    %dma_wait3A_72 = arith.constant 0 : i32
    %dma_wait3A_73 = tpu.memref_slice %arg13[%mul3A_71, %dma_wait3A_72] : memref<10240x64xf32, #tpu.memory_space<vmem_shared>> -> memref<128x64xf32, #tpu.memory_space<vmem_shared>>
    %dma_wait3A_74 = arith.constant 0 : i32
    %dma_wait3A_75 = tpu.memref_slice %arg13[%mul3A_71, %dma_wait3A_74] : memref<10240x64xf32, #tpu.memory_space<vmem_shared>> -> memref<128x64xf32, #tpu.memory_space<vmem_shared>>
    tpu.wait_dma2 semaphore(%arg14 : memref<!tpu.dma_semaphore, #tpu.memory_space<semaphore_mem>>) src(%arg8 : memref<128x64xf32, #tpu.memory_space<vmem>>) dst(%dma_wait3A_75 : memref<128x64xf32, #tpu.memory_space<vmem_shared>>)
    %mul3A_76 = arith.constant 640 : i32
    %mul3A_77 = arith.muli %arg1, %mul3A_76 : i32
    %dma_wait3A_78 = arith.constant 0 : i32
    %dma_wait3A_79 = tpu.memref_slice %arg13[%mul3A_77, %dma_wait3A_78] : memref<10240x64xf32, #tpu.memory_space<vmem_shared>> -> memref<128x64xf32, #tpu.memory_space<vmem_shared>>
    %dma_wait3A_80 = arith.constant 0 : i32
    %dma_wait3A_81 = tpu.memref_slice %arg13[%mul3A_77, %dma_wait3A_80] : memref<10240x64xf32, #tpu.memory_space<vmem_shared>> -> memref<128x64xf32, #tpu.memory_space<vmem_shared>>
    tpu.wait_dma2 semaphore(%arg14 : memref<!tpu.dma_semaphore, #tpu.memory_space<semaphore_mem>>) src(%arg8 : memref<128x64xf32, #tpu.memory_space<vmem>>) dst(%dma_wait3A_81 : memref<128x64xf32, #tpu.memory_space<vmem_shared>>)
    %mul3A_82 = arith.constant 640 : i32
    %mul3A_83 = arith.muli %arg1, %mul3A_82 : i32
    %dma_wait3A_84 = arith.constant 0 : i32
    %dma_wait3A_85 = tpu.memref_slice %arg13[%mul3A_83, %dma_wait3A_84] : memref<10240x64xf32, #tpu.memory_space<vmem_shared>> -> memref<128x64xf32, #tpu.memory_space<vmem_shared>>
    %dma_wait3A_86 = arith.constant 0 : i32
    %dma_wait3A_87 = tpu.memref_slice %arg13[%mul3A_83, %dma_wait3A_86] : memref<10240x64xf32, #tpu.memory_space<vmem_shared>> -> memref<128x64xf32, #tpu.memory_space<vmem_shared>>
    tpu.wait_dma2 semaphore(%arg14 : memref<!tpu.dma_semaphore, #tpu.memory_space<semaphore_mem>>) src(%arg8 : memref<128x64xf32, #tpu.memory_space<vmem>>) dst(%dma_wait3A_87 : memref<128x64xf32, #tpu.memory_space<vmem_shared>>)
    %dma_wait3A_88 = arith.constant 0 : i32
    %dma_wait3A_89 = arith.constant 0 : i32
    %dma_wait3A_90 = tpu.memref_slice %arg2[%arg1, %dma_wait3A_88, %dma_wait3A_89] : memref<16x160x128xi32, #tpu.memory_space<hbm>> -> memref<1x160x128xi32, #tpu.memory_space<hbm>>
    %dma_wait3A_91 = tpu.memref_squeeze %dma_wait3A_90 : memref<1x160x128xi32, #tpu.memory_space<hbm>> -> memref<160x128xi32, #tpu.memory_space<hbm>>
    %dma_wait3A_92 = arith.constant 0 : i32
    %dma_wait3A_93 = arith.constant 0 : i32
    %dma_wait3A_94 = tpu.memref_slice %arg2[%arg1, %dma_wait3A_92, %dma_wait3A_93] : memref<16x160x128xi32, #tpu.memory_space<hbm>> -> memref<1x160x128xi32, #tpu.memory_space<hbm>>
    %dma_wait3A_95 = tpu.memref_squeeze %dma_wait3A_94 : memref<1x160x128xi32, #tpu.memory_space<hbm>> -> memref<160x128xi32, #tpu.memory_space<hbm>>
    tpu.wait_dma2 semaphore(%arg19 : memref<!tpu.dma_semaphore, #tpu.memory_space<semaphore_mem>>) src(%dma_wait3A_95 : memref<160x128xi32, #tpu.memory_space<hbm>>) dst(%arg6 : memref<160x128xi32, #tpu.memory_space<vmem>>)
    %dma_wait3A_96 = arith.constant 0 : i32
    %dma_wait3A_97 = arith.constant 0 : i32
    %dma_wait3A_98 = tpu.memref_slice %arg3[%arg1, %dma_wait3A_96, %dma_wait3A_97] : memref<16x160x128xi32, #tpu.memory_space<hbm>> -> memref<1x160x128xi32, #tpu.memory_space<hbm>>
    %dma_wait3A_99 = tpu.memref_squeeze %dma_wait3A_98 : memref<1x160x128xi32, #tpu.memory_space<hbm>> -> memref<160x128xi32, #tpu.memory_space<hbm>>
    %dma_wait3A_100 = arith.constant 0 : i32
    %dma_wait3A_101 = arith.constant 0 : i32
    %dma_wait3A_102 = tpu.memref_slice %arg3[%arg1, %dma_wait3A_100, %dma_wait3A_101] : memref<16x160x128xi32, #tpu.memory_space<hbm>> -> memref<1x160x128xi32, #tpu.memory_space<hbm>>
    %dma_wait3A_103 = tpu.memref_squeeze %dma_wait3A_102 : memref<1x160x128xi32, #tpu.memory_space<hbm>> -> memref<160x128xi32, #tpu.memory_space<hbm>>
    tpu.wait_dma2 semaphore(%arg20 : memref<!tpu.dma_semaphore, #tpu.memory_space<semaphore_mem>>) src(%dma_wait3A_103 : memref<160x128xi32, #tpu.memory_space<hbm>>) dst(%arg7 : memref<160x128xi32, #tpu.memory_space<vmem>>)
    %get3A = arith.constant 0 : i32
    %get3A_104 = arith.index_cast %get3A : i32 to index
    %get3A_105 = arith.constant 0 : index
    %get3A_106 = tpu.vector_load %arg7[%get3A_104, %get3A_105] {strides = array<i32>} : memref<160x128xi32, #tpu.memory_space<vmem>>, vector<1x16xi32>,
    %get3A_107 = vector.shape_cast %get3A_106 : vector<1x16xi32> to vector<16xi32>
    %add3A_108 = arith.addi %get3A_107, %get3A_107 : vector<16xi32>
    %add3A_109 = vector.broadcast %arg0 : i32 to vector<16xi32>
    %add3A_110 = arith.addi %add3A_108, %add3A_109 : vector<16xi32>
    %swap3A = arith.constant 0 : i32
    %swap3A_111 = arith.index_cast %swap3A : i32 to index
    %swap3A_112 = arith.constant 0 : index
    %swap3A_113 = tpu.vector_load %arg7[%swap3A_111, %swap3A_112] {strides = array<i32>} : memref<160x128xi32, #tpu.memory_space<vmem>>, vector<1x16xi32>,
    %swap3A_114 = vector.shape_cast %swap3A_113 : vector<1x16xi32> to vector<16xi32>
    %swap3A_115 = vector.shape_cast %add3A_110 : vector<16xi32> to vector<1x16xi32>
    tpu.vector_store %arg7[%swap3A_111, %swap3A_112], %swap3A_115 {strides = array<i32>} : memref<160x128xi32, #tpu.memory_space<vmem>>, vector<1x16xi32>,
    %get3A_116 = arith.constant 0 : i32
    %get3A_117 = arith.index_cast %get3A_116 : i32 to index
    %get3A_118 = arith.constant 16 : index
    %get3A_119 = tpu.vector_load %arg7[%get3A_117, %get3A_118] {strides = array<i32>} : memref<160x128xi32, #tpu.memory_space<vmem>>, vector<1x16xi32>,
    %get3A_120 = vector.shape_cast %get3A_119 : vector<1x16xi32> to vector<16xi32>
    %add3A_121 = arith.addi %get3A_120, %get3A_120 : vector<16xi32>
    %add3A_122 = vector.broadcast %arg0 : i32 to vector<16xi32>
    %add3A_123 = arith.addi %add3A_121, %add3A_122 : vector<16xi32>
    %swap3A_124 = arith.constant 0 : i32
    %swap3A_125 = arith.index_cast %swap3A_124 : i32 to index
    %swap3A_126 = arith.constant 16 : index
    %swap3A_127 = tpu.vector_load %arg7[%swap3A_125, %swap3A_126] {strides = array<i32>} : memref<160x128xi32, #tpu.memory_space<vmem>>, vector<1x16xi32>,
    %swap3A_128 = vector.shape_cast %swap3A_127 : vector<1x16xi32> to vector<16xi32>
    %swap3A_129 = vector.shape_cast %add3A_123 : vector<16xi32> to vector<1x16xi32>
    tpu.vector_store %arg7[%swap3A_125, %swap3A_126], %swap3A_129 {strides = array<i32>} : memref<160x128xi32, #tpu.memory_space<vmem>>, vector<1x16xi32>,
    %get3A_130 = arith.constant 0 : i32
    %get3A_131 = arith.index_cast %get3A_130 : i32 to index
    %get3A_132 = arith.constant 32 : index
    %get3A_133 = tpu.vector_load %arg7[%get3A_131, %get3A_132] {strides = array<i32>} : memref<160x128xi32, #tpu.memory_space<vmem>>, vector<1x16xi32>,
    %get3A_134 = vector.shape_cast %get3A_133 : vector<1x16xi32> to vector<16xi32>
    %add3A_135 = arith.addi %get3A_134, %get3A_134 : vector<16xi32>
    %add3A_136 = vector.broadcast %arg0 : i32 to vector<16xi32>
    %add3A_137 = arith.addi %add3A_135, %add3A_136 : vector<16xi32>
    %swap3A_138 = arith.constant 0 : i32
    %swap3A_139 = arith.index_cast %swap3A_138 : i32 to index
    %swap3A_140 = arith.constant 32 : index
    %swap3A_141 = tpu.vector_load %arg7[%swap3A_139, %swap3A_140] {strides = array<i32>} : memref<160x128xi32, #tpu.memory_space<vmem>>, vector<1x16xi32>,
    %swap3A_142 = vector.shape_cast %swap3A_141 : vector<1x16xi32> to vector<16xi32>
    %swap3A_143 = vector.shape_cast %add3A_137 : vector<16xi32> to vector<1x16xi32>
    tpu.vector_store %arg7[%swap3A_139, %swap3A_140], %swap3A_143 {strides = array<i32>} : memref<160x128xi32, #tpu.memory_space<vmem>>, vector<1x16xi32>,
    %get3A_144 = arith.constant 0 : i32
    %get3A_145 = arith.index_cast %get3A_144 : i32 to index
    %get3A_146 = arith.constant 48 : index
    %get3A_147 = tpu.vector_load %arg7[%get3A_145, %get3A_146] {strides = array<i32>} : memref<160x128xi32, #tpu.memory_space<vmem>>, vector<1x16xi32>,
    %get3A_148 = vector.shape_cast %get3A_147 : vector<1x16xi32> to vector<16xi32>
    %add3A_149 = arith.addi %get3A_148, %get3A_148 : vector<16xi32>
    %add3A_150 = vector.broadcast %arg0 : i32 to vector<16xi32>
    %add3A_151 = arith.addi %add3A_149, %add3A_150 : vector<16xi32>
    %swap3A_152 = arith.constant 0 : i32
    %swap3A_153 = arith.index_cast %swap3A_152 : i32 to index
    %swap3A_154 = arith.constant 48 : index
    %swap3A_155 = tpu.vector_load %arg7[%swap3A_153, %swap3A_154] {strides = array<i32>} : memref<160x128xi32, #tpu.memory_space<vmem>>, vector<1x16xi32>,
    %swap3A_156 = vector.shape_cast %swap3A_155 : vector<1x16xi32> to vector<16xi32>
    %swap3A_157 = vector.shape_cast %add3A_151 : vector<16xi32> to vector<1x16xi32>
    tpu.vector_store %arg7[%swap3A_153, %swap3A_154], %swap3A_157 {strides = array<i32>} : memref<160x128xi32, #tpu.memory_space<vmem>>, vector<1x16xi32>,
    %get3A_158 = arith.constant 0 : i32
    %get3A_159 = arith.index_cast %get3A_158 : i32 to index
    %get3A_160 = arith.constant 64 : index
    %get3A_161 = tpu.vector_load %arg7[%get3A_159, %get3A_160] {strides = array<i32>} : memref<160x128xi32, #tpu.memory_space<vmem>>, vector<1x16xi32>,
    %get3A_162 = vector.shape_cast %get3A_161 : vector<1x16xi32> to vector<16xi32>
    %add3A_163 = arith.addi %get3A_162, %get3A_162 : vector<16xi32>
    %add3A_164 = vector.broadcast %arg0 : i32 to vector<16xi32>
    %add3A_165 = arith.addi %add3A_163, %add3A_164 : vector<16xi32>
    %swap3A_166 = arith.constant 0 : i32
    %swap3A_167 = arith.index_cast %swap3A_166 : i32 to index
    %swap3A_168 = arith.constant 64 : index
    %swap3A_169 = tpu.vector_load %arg7[%swap3A_167, %swap3A_168] {strides = array<i32>} : memref<160x128xi32, #tpu.memory_space<vmem>>, vector<1x16xi32>,
    %swap3A_170 = vector.shape_cast %swap3A_169 : vector<1x16xi32> to vector<16xi32>
    %swap3A_171 = vector.shape_cast %add3A_165 : vector<16xi32> to vector<1x16xi32>
    tpu.vector_store %arg7[%swap3A_167, %swap3A_168], %swap3A_171 {strides = array<i32>} : memref<160x128xi32, #tpu.memory_space<vmem>>, vector<1x16xi32>,
    %get3A_172 = arith.constant 0 : i32
    %get3A_173 = arith.index_cast %get3A_172 : i32 to index
    %get3A_174 = arith.constant 80 : index
    %get3A_175 = tpu.vector_load %arg7[%get3A_173, %get3A_174] {strides = array<i32>} : memref<160x128xi32, #tpu.memory_space<vmem>>, vector<1x16xi32>,
    %get3A_176 = vector.shape_cast %get3A_175 : vector<1x16xi32> to vector<16xi32>
    %add3A_177 = arith.addi %get3A_176, %get3A_176 : vector<16xi32>
    %add3A_178 = vector.broadcast %arg0 : i32 to vector<16xi32>
    %add3A_179 = arith.addi %add3A_177, %add3A_178 : vector<16xi32>
    %swap3A_180 = arith.constant 0 : i32
    %swap3A_181 = arith.index_cast %swap3A_180 : i32 to index
    %swap3A_182 = arith.constant 80 : index
    %swap3A_183 = tpu.vector_load %arg7[%swap3A_181, %swap3A_182] {strides = array<i32>} : memref<160x128xi32, #tpu.memory_space<vmem>>, vector<1x16xi32>,
    %swap3A_184 = vector.shape_cast %swap3A_183 : vector<1x16xi32> to vector<16xi32>
    %swap3A_185 = vector.shape_cast %add3A_179 : vector<16xi32> to vector<1x16xi32>
    tpu.vector_store %arg7[%swap3A_181, %swap3A_182], %swap3A_185 {strides = array<i32>} : memref<160x128xi32, #tpu.memory_space<vmem>>, vector<1x16xi32>,
    %get3A_186 = arith.constant 0 : i32
    %get3A_187 = arith.index_cast %get3A_186 : i32 to index
    %get3A_188 = arith.constant 96 : index
    %get3A_189 = tpu.vector_load %arg7[%get3A_187, %get3A_188] {strides = array<i32>} : memref<160x128xi32, #tpu.memory_space<vmem>>, vector<1x16xi32>,
    %get3A_190 = vector.shape_cast %get3A_189 : vector<1x16xi32> to vector<16xi32>
    %add3A_191 = arith.addi %get3A_190, %get3A_190 : vector<16xi32>
    %add3A_192 = vector.broadcast %arg0 : i32 to vector<16xi32>
    %add3A_193 = arith.addi %add3A_191, %add3A_192 : vector<16xi32>
    %swap3A_194 = arith.constant 0 : i32
    %swap3A_195 = arith.index_cast %swap3A_194 : i32 to index
    %swap3A_196 = arith.constant 96 : index
    %swap3A_197 = tpu.vector_load %arg7[%swap3A_195, %swap3A_196] {strides = array<i32>} : memref<160x128xi32, #tpu.memory_space<vmem>>, vector<1x16xi32>,
    %swap3A_198 = vector.shape_cast %swap3A_197 : vector<1x16xi32> to vector<16xi32>
    %swap3A_199 = vector.shape_cast %add3A_193 : vector<16xi32> to vector<1x16xi32>
    tpu.vector_store %arg7[%swap3A_195, %swap3A_196], %swap3A_199 {strides = array<i32>} : memref<160x128xi32, #tpu.memory_space<vmem>>, vector<1x16xi32>,
    %get3A_200 = arith.constant 0 : i32
    %get3A_201 = arith.index_cast %get3A_200 : i32 to index
    %get3A_202 = arith.constant 112 : index
    %get3A_203 = tpu.vector_load %arg7[%get3A_201, %get3A_202] {strides = array<i32>} : memref<160x128xi32, #tpu.memory_space<vmem>>, vector<1x16xi32>,
    %get3A_204 = vector.shape_cast %get3A_203 : vector<1x16xi32> to vector<16xi32>
    %add3A_205 = arith.addi %get3A_204, %get3A_204 : vector<16xi32>
    %add3A_206 = vector.broadcast %arg0 : i32 to vector<16xi32>
    %add3A_207 = arith.addi %add3A_205, %add3A_206 : vector<16xi32>
    %swap3A_208 = arith.constant 0 : i32
    %swap3A_209 = arith.index_cast %swap3A_208 : i32 to index
    %swap3A_210 = arith.constant 112 : index
    %swap3A_211 = tpu.vector_load %arg7[%swap3A_209, %swap3A_210] {strides = array<i32>} : memref<160x128xi32, #tpu.memory_space<vmem>>, vector<1x16xi32>,
    %swap3A_212 = vector.shape_cast %swap3A_211 : vector<1x16xi32> to vector<16xi32>
    %swap3A_213 = vector.shape_cast %add3A_207 : vector<16xi32> to vector<1x16xi32>
    tpu.vector_store %arg7[%swap3A_209, %swap3A_210], %swap3A_213 {strides = array<i32>} : memref<160x128xi32, #tpu.memory_space<vmem>>, vector<1x16xi32>,
    %dma_start3A_214 = arith.constant 0 : i32
    %dma_start3A_215 = arith.constant 0 : i32
    %dma_start3A_216 = tpu.memref_slice %arg7[%dma_start3A_214, %dma_start3A_215] : memref<160x128xi32, #tpu.memory_space<vmem>> -> memref<1x128xi32, #tpu.memory_space<vmem>>
    %dma_start3A_217 = tpu.memref_squeeze %dma_start3A_216 : memref<1x128xi32, #tpu.memory_space<vmem>> -> memref<128xi32, #tpu.memory_space<vmem>>
    %dma_start3A_218 = arith.constant 0 : i32
    %dma_start3A_219 = arith.constant 0 : i32
    %dma_start3A_220 = tpu.memref_slice %arg4[%dma_start3A_218, %dma_start3A_219] : memref<20000x64xf32, #tpu.memory_space<hbm>> -> memref<20000x64xf32, #tpu.memory_space<hbm>>
    tpu.enqueue_indirect_dma source(%dma_start3A_220 : memref<20000x64xf32, #tpu.memory_space<hbm>>) target(%arg8 : memref<128x64xf32, #tpu.memory_space<vmem>>) offsets(%dma_start3A_217 : memref<128xi32, #tpu.memory_space<vmem>>) semaphore(%arg14 : memref<!tpu.dma_semaphore, #tpu.memory_space<semaphore_mem>>)
    %get3A_221 = arith.constant 1 : i32
    %get3A_222 = arith.index_cast %get3A_221 : i32 to index
    %get3A_223 = arith.constant 0 : index
    %get3A_224 = tpu.vector_load %arg7[%get3A_222, %get3A_223] {strides = array<i32>} : memref<160x128xi32, #tpu.memory_space<vmem>>, vector<1x16xi32>,
    %get3A_225 = vector.shape_cast %get3A_224 : vector<1x16xi32> to vector<16xi32>
    %add3A_226 = arith.addi %get3A_225, %get3A_225 : vector<16xi32>
    %add3A_227 = vector.broadcast %arg0 : i32 to vector<16xi32>
    %add3A_228 = arith.addi %add3A_226, %add3A_227 : vector<16xi32>
    %swap3A_229 = arith.constant 1 : i32
    %swap3A_230 = arith.index_cast %swap3A_229 : i32 to index
    %swap3A_231 = arith.constant 0 : index
    %swap3A_232 = tpu.vector_load %arg7[%swap3A_230, %swap3A_231] {strides = array<i32>} : memref<160x128xi32, #tpu.memory_space<vmem>>, vector<1x16xi32>,
    %swap3A_233 = vector.shape_cast %swap3A_232 : vector<1x16xi32> to vector<16xi32>
    %swap3A_234 = vector.shape_cast %add3A_228 : vector<16xi32> to vector<1x16xi32>
    tpu.vector_store %arg7[%swap3A_230, %swap3A_231], %swap3A_234 {strides = array<i32>} : memref<160x128xi32, #tpu.memory_space<vmem>>, vector<1x16xi32>,
    %get3A_235 = arith.constant 1 : i32
    %get3A_236 = arith.index_cast %get3A_235 : i32 to index
    %get3A_237 = arith.constant 16 : index
    %get3A_238 = tpu.vector_load %arg7[%get3A_236, %get3A_237] {strides = array<i32>} : memref<160x128xi32, #tpu.memory_space<vmem>>, vector<1x16xi32>,
    %get3A_239 = vector.shape_cast %get3A_238 : vector<1x16xi32> to vector<16xi32>
    %add3A_240 = arith.addi %get3A_239, %get3A_239 : vector<16xi32>
    %add3A_241 = vector.broadcast %arg0 : i32 to vector<16xi32>
    %add3A_242 = arith.addi %add3A_240, %add3A_241 : vector<16xi32>
    %swap3A_243 = arith.constant 1 : i32
    %swap3A_244 = arith.index_cast %swap3A_243 : i32 to index
    %swap3A_245 = arith.constant 16 : index
    %swap3A_246 = tpu.vector_load %arg7[%swap3A_244, %swap3A_245] {strides = array<i32>} : memref<160x128xi32, #tpu.memory_space<vmem>>, vector<1x16xi32>,
    %swap3A_247 = vector.shape_cast %swap3A_246 : vector<1x16xi32> to vector<16xi32>
    %swap3A_248 = vector.shape_cast %add3A_242 : vector<16xi32> to vector<1x16xi32>
    tpu.vector_store %arg7[%swap3A_244, %swap3A_245], %swap3A_248 {strides = array<i32>} : memref<160x128xi32, #tpu.memory_space<vmem>>, vector<1x16xi32>,
    %get3A_249 = arith.constant 1 : i32
    %get3A_250 = arith.index_cast %get3A_249 : i32 to index
    %get3A_251 = arith.constant 32 : index
    %get3A_252 = tpu.vector_load %arg7[%get3A_250, %get3A_251] {strides = array<i32>} : memref<160x128xi32, #tpu.memory_space<vmem>>, vector<1x16xi32>,
    %get3A_253 = vector.shape_cast %get3A_252 : vector<1x16xi32> to vector<16xi32>
    %add3A_254 = arith.addi %get3A_253, %get3A_253 : vector<16xi32>
    %add3A_255 = vector.broadcast %arg0 : i32 to vector<16xi32>
    %add3A_256 = arith.addi %add3A_254, %add3A_255 : vector<16xi32>
    %swap3A_257 = arith.constant 1 : i32
    %swap3A_258 = arith.index_cast %swap3A_257 : i32 to index
    %swap3A_259 = arith.constant 32 : index
    %swap3A_260 = tpu.vector_load %arg7[%swap3A_258, %swap3A_259] {strides = array<i32>} : memref<160x128xi32, #tpu.memory_space<vmem>>, vector<1x16xi32>,
    %swap3A_261 = vector.shape_cast %swap3A_260 : vector<1x16xi32> to vector<16xi32>
    %swap3A_262 = vector.shape_cast %add3A_256 : vector<16xi32> to vector<1x16xi32>
    tpu.vector_store %arg7[%swap3A_258, %swap3A_259], %swap3A_262 {strides = array<i32>} : memref<160x128xi32, #tpu.memory_space<vmem>>, vector<1x16xi32>,
    %get3A_263 = arith.constant 1 : i32
    %get3A_264 = arith.index_cast %get3A_263 : i32 to index
    %get3A_265 = arith.constant 48 : index
    %get3A_266 = tpu.vector_load %arg7[%get3A_264, %get3A_265] {strides = array<i32>} : memref<160x128xi32, #tpu.memory_space<vmem>>, vector<1x16xi32>,
    %get3A_267 = vector.shape_cast %get3A_266 : vector<1x16xi32> to vector<16xi32>
    %add3A_268 = arith.addi %get3A_267, %get3A_267 : vector<16xi32>
    %add3A_269 = vector.broadcast %arg0 : i32 to vector<16xi32>
    %add3A_270 = arith.addi %add3A_268, %add3A_269 : vector<16xi32>
    %swap3A_271 = arith.constant 1 : i32
    %swap3A_272 = arith.index_cast %swap3A_271 : i32 to index
    %swap3A_273 = arith.constant 48 : index
    %swap3A_274 = tpu.vector_load %arg7[%swap3A_272, %swap3A_273] {strides = array<i32>} : memref<160x128xi32, #tpu.memory_space<vmem>>, vector<1x16xi32>,
    %swap3A_275 = vector.shape_cast %swap3A_274 : vector<1x16xi32> to vector<16xi32>
    %swap3A_276 = vector.shape_cast %add3A_270 : vector<16xi32> to vector<1x16xi32>
    tpu.vector_store %arg7[%swap3A_272, %swap3A_273], %swap3A_276 {strides = array<i32>} : memref<160x128xi32, #tpu.memory_space<vmem>>, vector<1x16xi32>,
    %get3A_277 = arith.constant 1 : i32
    %get3A_278 = arith.index_cast %get3A_277 : i32 to index
    %get3A_279 = arith.constant 64 : index
    %get3A_280 = tpu.vector_load %arg7[%get3A_278, %get3A_279] {strides = array<i32>} : memref<160x128xi32, #tpu.memory_space<vmem>>, vector<1x16xi32>,
    %get3A_281 = vector.shape_cast %get3A_280 : vector<1x16xi32> to vector<16xi32>
    %add3A_282 = arith.addi %get3A_281, %get3A_281 : vector<16xi32>
    %add3A_283 = vector.broadcast %arg0 : i32 to vector<16xi32>
    %add3A_284 = arith.addi %add3A_282, %add3A_283 : vector<16xi32>
    %swap3A_285 = arith.constant 1 : i32
    %swap3A_286 = arith.index_cast %swap3A_285 : i32 to index
    %swap3A_287 = arith.constant 64 : index
    %swap3A_288 = tpu.vector_load %arg7[%swap3A_286, %swap3A_287] {strides = array<i32>} : memref<160x128xi32, #tpu.memory_space<vmem>>, vector<1x16xi32>,
    %swap3A_289 = vector.shape_cast %swap3A_288 : vector<1x16xi32> to vector<16xi32>
    %swap3A_290 = vector.shape_cast %add3A_284 : vector<16xi32> to vector<1x16xi32>
    tpu.vector_store %arg7[%swap3A_286, %swap3A_287], %swap3A_290 {strides = array<i32>} : memref<160x128xi32, #tpu.memory_space<vmem>>, vector<1x16xi32>,
    %get3A_291 = arith.constant 1 : i32
    %get3A_292 = arith.index_cast %get3A_291 : i32 to index
    %get3A_293 = arith.constant 80 : index
    %get3A_294 = tpu.vector_load %arg7[%get3A_292, %get3A_293] {strides = array<i32>} : memref<160x128xi32, #tpu.memory_space<vmem>>, vector<1x16xi32>,
    %get3A_295 = vector.shape_cast %get3A_294 : vector<1x16xi32> to vector<16xi32>
    %add3A_296 = arith.addi %get3A_295, %get3A_295 : vector<16xi32>
    %add3A_297 = vector.broadcast %arg0 : i32 to vector<16xi32>
    %add3A_298 = arith.addi %add3A_296, %add3A_297 : vector<16xi32>
    %swap3A_299 = arith.constant 1 : i32
    %swap3A_300 = arith.index_cast %swap3A_299 : i32 to index
    %swap3A_301 = arith.constant 80 : index
    %swap3A_302 = tpu.vector_load %arg7[%swap3A_300, %swap3A_301] {strides = array<i32>} : memref<160x128xi32, #tpu.memory_space<vmem>>, vector<1x16xi32>,
    %swap3A_303 = vector.shape_cast %swap3A_302 : vector<1x16xi32> to vector<16xi32>
    %swap3A_304 = vector.shape_cast %add3A_298 : vector<16xi32> to vector<1x16xi32>
    tpu.vector_store %arg7[%swap3A_300, %swap3A_301], %swap3A_304 {strides = array<i32>} : memref<160x128xi32, #tpu.memory_space<vmem>>, vector<1x16xi32>,
    %get3A_305 = arith.constant 1 : i32
    %get3A_306 = arith.index_cast %get3A_305 : i32 to index
    %get3A_307 = arith.constant 96 : index
    %get3A_308 = tpu.vector_load %arg7[%get3A_306, %get3A_307] {strides = array<i32>} : memref<160x128xi32, #tpu.memory_space<vmem>>, vector<1x16xi32>,
    %get3A_309 = vector.shape_cast %get3A_308 : vector<1x16xi32> to vector<16xi32>
    %add3A_310 = arith.addi %get3A_309, %get3A_309 : vector<16xi32>
    %add3A_311 = vector.broadcast %arg0 : i32 to vector<16xi32>
    %add3A_312 = arith.addi %add3A_310, %add3A_311 : vector<16xi32>
    %swap3A_313 = arith.constant 1 : i32
    %swap3A_314 = arith.index_cast %swap3A_313 : i32 to index
    %swap3A_315 = arith.constant 96 : index
    %swap3A_316 = tpu.vector_load %arg7[%swap3A_314, %swap3A_315] {strides = array<i32>} : memref<160x128xi32, #tpu.memory_space<vmem>>, vector<1x16xi32>,
    %swap3A_317 = vector.shape_cast %swap3A_316 : vector<1x16xi32> to vector<16xi32>
    %swap3A_318 = vector.shape_cast %add3A_312 : vector<16xi32> to vector<1x16xi32>
    tpu.vector_store %arg7[%swap3A_314, %swap3A_315], %swap3A_318 {strides = array<i32>} : memref<160x128xi32, #tpu.memory_space<vmem>>, vector<1x16xi32>,
    %get3A_319 = arith.constant 1 : i32
    %get3A_320 = arith.index_cast %get3A_319 : i32 to index
    %get3A_321 = arith.constant 112 : index
    %get3A_322 = tpu.vector_load %arg7[%get3A_320, %get3A_321] {strides = array<i32>} : memref<160x128xi32, #tpu.memory_space<vmem>>, vector<1x16xi32>,
    %get3A_323 = vector.shape_cast %get3A_322 : vector<1x16xi32> to vector<16xi32>
    %add3A_324 = arith.addi %get3A_323, %get3A_323 : vector<16xi32>
    %add3A_325 = vector.broadcast %arg0 : i32 to vector<16xi32>
    %add3A_326 = arith.addi %add3A_324, %add3A_325 : vector<16xi32>
    %swap3A_327 = arith.constant 1 : i32
    %swap3A_328 = arith.index_cast %swap3A_327 : i32 to index
    %swap3A_329 = arith.constant 112 : index
    %swap3A_330 = tpu.vector_load %arg7[%swap3A_328, %swap3A_329] {strides = array<i32>} : memref<160x128xi32, #tpu.memory_space<vmem>>, vector<1x16xi32>,
    %swap3A_331 = vector.shape_cast %swap3A_330 : vector<1x16xi32> to vector<16xi32>
    %swap3A_332 = vector.shape_cast %add3A_326 : vector<16xi32> to vector<1x16xi32>
    tpu.vector_store %arg7[%swap3A_328, %swap3A_329], %swap3A_332 {strides = array<i32>} : memref<160x128xi32, #tpu.memory_space<vmem>>, vector<1x16xi32>,
    %dma_start3A_333 = arith.constant 1 : i32
    %dma_start3A_334 = arith.constant 0 : i32
    %dma_start3A_335 = tpu.memref_slice %arg7[%dma_start3A_333, %dma_start3A_334] : memref<160x128xi32, #tpu.memory_space<vmem>> -> memref<1x128xi32, #tpu.memory_space<vmem>>
    %dma_start3A_336 = tpu.memref_squeeze %dma_start3A_335 : memref<1x128xi32, #tpu.memory_space<vmem>> -> memref<128xi32, #tpu.memory_space<vmem>>
    %dma_start3A_337 = arith.constant 0 : i32
    %dma_start3A_338 = arith.constant 0 : i32
    %dma_start3A_339 = tpu.memref_slice %arg4[%dma_start3A_337, %dma_start3A_338] : memref<20000x64xf32, #tpu.memory_space<hbm>> -> memref<20000x64xf32, #tpu.memory_space<hbm>>
    tpu.enqueue_indirect_dma source(%dma_start3A_339 : memref<20000x64xf32, #tpu.memory_space<hbm>>) target(%arg9 : memref<128x64xf32, #tpu.memory_space<vmem>>) offsets(%dma_start3A_336 : memref<128xi32, #tpu.memory_space<vmem>>) semaphore(%arg15 : memref<!tpu.dma_semaphore, #tpu.memory_space<semaphore_mem>>)
    %barrier3A = arith.constant 0 : index
    tpu.barrier barrier_id(%barrier3A)
    %scan3A_340 = arith.constant 0 : i32
    %scan3A_341 = arith.constant 0 : i32
    %scan3A_342 = arith.constant 32 : i32
    %scan3A_343 = arith.addi %scan3A_341, %scan3A_342 : i32
    %scan3A_344 = arith.constant 1 : i32
    scf.for %scan3A_528 = %scan3A_341 to %scan3A_343 step %scan3A_344  : i32 {
      %mul3A_529 = arith.constant 5 : i32
      %mul3A_530 = arith.muli %mul3A_529, %scan3A_528 : i32
      %add3A_531 = arith.constant 0 : i32
      %add3A_532 = arith.addi %mul3A_530, %add3A_531 : i32
      %gt3A = arith.constant 0 : i32
      %gt3A_533 = arith.cmpi sgt, %scan3A_528, %gt3A : i32
      %convert_element_type3A = arith.extui %gt3A_533 : i1 to i32
      %cond3A = arith.constant 0 : i32
      %cond3A_534 = arith.cmpi ne, %convert_element_type3A, %cond3A : i32
      scf.if %cond3A_534 {
        %dma_wait3A_967 = arith.constant 0 : i32
        %dma_wait3A_968 = arith.constant 0 : i32
        %dma_wait3A_969 = tpu.memref_slice %arg7[%dma_wait3A_967, %dma_wait3A_968] : memref<160x128xi32, #tpu.memory_space<vmem>> -> memref<1x128xi32, #tpu.memory_space<vmem>>
        %dma_wait3A_970 = tpu.memref_squeeze %dma_wait3A_969 : memref<1x128xi32, #tpu.memory_space<vmem>> -> memref<128xi32, #tpu.memory_space<vmem>>
        %dma_wait3A_971 = arith.constant 0 : i32
        %dma_wait3A_972 = arith.constant 0 : i32
        %dma_wait3A_973 = tpu.memref_slice %arg4[%dma_wait3A_971, %dma_wait3A_972] : memref<20000x64xf32, #tpu.memory_space<hbm>> -> memref<20000x64xf32, #tpu.memory_space<hbm>>
        tpu.wait_indirect_dma semaphore(%arg21 : memref<!tpu.dma_semaphore, #tpu.memory_space<semaphore_mem>>) src(%dma_wait3A_973 : memref<20000x64xf32, #tpu.memory_space<hbm>>) dst(%arg10 : memref<128x64xf32, #tpu.memory_space<vmem>>)
      } else {
      }
      %add3A_535 = arith.constant 2 : i32
      %add3A_536 = arith.addi %add3A_532, %add3A_535 : i32
      %get3A_537 = arith.index_cast %add3A_536 : i32 to index
      %get3A_538 = arith.constant 0 : index
      %get3A_539 = tpu.vector_load %arg7[%get3A_537, %get3A_538] {strides = array<i32>} : memref<160x128xi32, #tpu.memory_space<vmem>>, vector<1x16xi32>,
      %get3A_540 = vector.shape_cast %get3A_539 : vector<1x16xi32> to vector<16xi32>
      %add3A_541 = arith.addi %get3A_540, %get3A_540 : vector<16xi32>
      %add3A_542 = vector.broadcast %arg0 : i32 to vector<16xi32>
      %add3A_543 = arith.addi %add3A_541, %add3A_542 : vector<16xi32>
      %swap3A_544 = arith.index_cast %add3A_536 : i32 to index
      %swap3A_545 = arith.constant 0 : index
      %swap3A_546 = tpu.vector_load %arg7[%swap3A_544, %swap3A_545] {strides = array<i32>} : memref<160x128xi32, #tpu.memory_space<vmem>>, vector<1x16xi32>,
      %swap3A_547 = vector.shape_cast %swap3A_546 : vector<1x16xi32> to vector<16xi32>
      %swap3A_548 = vector.shape_cast %add3A_543 : vector<16xi32> to vector<1x16xi32>
      tpu.vector_store %arg7[%swap3A_544, %swap3A_545], %swap3A_548 {strides = array<i32>} : memref<160x128xi32, #tpu.memory_space<vmem>>, vector<1x16xi32>,
      %get3A_549 = arith.index_cast %add3A_536 : i32 to index
      %get3A_550 = arith.constant 16 : index
      %get3A_551 = tpu.vector_load %arg7[%get3A_549, %get3A_550] {strides = array<i32>} : memref<160x128xi32, #tpu.memory_space<vmem>>, vector<1x16xi32>,
      %get3A_552 = vector.shape_cast %get3A_551 : vector<1x16xi32> to vector<16xi32>
      %add3A_553 = arith.addi %get3A_552, %get3A_552 : vector<16xi32>
      %add3A_554 = vector.broadcast %arg0 : i32 to vector<16xi32>
      %add3A_555 = arith.addi %add3A_553, %add3A_554 : vector<16xi32>
      %swap3A_556 = arith.index_cast %add3A_536 : i32 to index
      %swap3A_557 = arith.constant 16 : index
      %swap3A_558 = tpu.vector_load %arg7[%swap3A_556, %swap3A_557] {strides = array<i32>} : memref<160x128xi32, #tpu.memory_space<vmem>>, vector<1x16xi32>,
      %swap3A_559 = vector.shape_cast %swap3A_558 : vector<1x16xi32> to vector<16xi32>
      %swap3A_560 = vector.shape_cast %add3A_555 : vector<16xi32> to vector<1x16xi32>
      tpu.vector_store %arg7[%swap3A_556, %swap3A_557], %swap3A_560 {strides = array<i32>} : memref<160x128xi32, #tpu.memory_space<vmem>>, vector<1x16xi32>,
      %get3A_561 = arith.index_cast %add3A_536 : i32 to index
      %get3A_562 = arith.constant 32 : index
      %get3A_563 = tpu.vector_load %arg7[%get3A_561, %get3A_562] {strides = array<i32>} : memref<160x128xi32, #tpu.memory_space<vmem>>, vector<1x16xi32>,
      %get3A_564 = vector.shape_cast %get3A_563 : vector<1x16xi32> to vector<16xi32>
      %add3A_565 = arith.addi %get3A_564, %get3A_564 : vector<16xi32>
      %add3A_566 = vector.broadcast %arg0 : i32 to vector<16xi32>
      %add3A_567 = arith.addi %add3A_565, %add3A_566 : vector<16xi32>
      %swap3A_568 = arith.index_cast %add3A_536 : i32 to index
      %swap3A_569 = arith.constant 32 : index
      %swap3A_570 = tpu.vector_load %arg7[%swap3A_568, %swap3A_569] {strides = array<i32>} : memref<160x128xi32, #tpu.memory_space<vmem>>, vector<1x16xi32>,
      %swap3A_571 = vector.shape_cast %swap3A_570 : vector<1x16xi32> to vector<16xi32>
      %swap3A_572 = vector.shape_cast %add3A_567 : vector<16xi32> to vector<1x16xi32>
      tpu.vector_store %arg7[%swap3A_568, %swap3A_569], %swap3A_572 {strides = array<i32>} : memref<160x128xi32, #tpu.memory_space<vmem>>, vector<1x16xi32>,
      %get3A_573 = arith.index_cast %add3A_536 : i32 to index
      %get3A_574 = arith.constant 48 : index
      %get3A_575 = tpu.vector_load %arg7[%get3A_573, %get3A_574] {strides = array<i32>} : memref<160x128xi32, #tpu.memory_space<vmem>>, vector<1x16xi32>,
      %get3A_576 = vector.shape_cast %get3A_575 : vector<1x16xi32> to vector<16xi32>
      %add3A_577 = arith.addi %get3A_576, %get3A_576 : vector<16xi32>
      %add3A_578 = vector.broadcast %arg0 : i32 to vector<16xi32>
      %add3A_579 = arith.addi %add3A_577, %add3A_578 : vector<16xi32>
      %swap3A_580 = arith.index_cast %add3A_536 : i32 to index
      %swap3A_581 = arith.constant 48 : index
      %swap3A_582 = tpu.vector_load %arg7[%swap3A_580, %swap3A_581] {strides = array<i32>} : memref<160x128xi32, #tpu.memory_space<vmem>>, vector<1x16xi32>,
      %swap3A_583 = vector.shape_cast %swap3A_582 : vector<1x16xi32> to vector<16xi32>
      %swap3A_584 = vector.shape_cast %add3A_579 : vector<16xi32> to vector<1x16xi32>
      tpu.vector_store %arg7[%swap3A_580, %swap3A_581], %swap3A_584 {strides = array<i32>} : memref<160x128xi32, #tpu.memory_space<vmem>>, vector<1x16xi32>,
      %get3A_585 = arith.index_cast %add3A_536 : i32 to index
      %get3A_586 = arith.constant 64 : index
      %get3A_587 = tpu.vector_load %arg7[%get3A_585, %get3A_586] {strides = array<i32>} : memref<160x128xi32, #tpu.memory_space<vmem>>, vector<1x16xi32>,
      %get3A_588 = vector.shape_cast %get3A_587 : vector<1x16xi32> to vector<16xi32>
      %add3A_589 = arith.addi %get3A_588, %get3A_588 : vector<16xi32>
      %add3A_590 = vector.broadcast %arg0 : i32 to vector<16xi32>
      %add3A_591 = arith.addi %add3A_589, %add3A_590 : vector<16xi32>
      %swap3A_592 = arith.index_cast %add3A_536 : i32 to index
      %swap3A_593 = arith.constant 64 : index
      %swap3A_594 = tpu.vector_load %arg7[%swap3A_592, %swap3A_593] {strides = array<i32>} : memref<160x128xi32, #tpu.memory_space<vmem>>, vector<1x16xi32>,
      %swap3A_595 = vector.shape_cast %swap3A_594 : vector<1x16xi32> to vector<16xi32>
      %swap3A_596 = vector.shape_cast %add3A_591 : vector<16xi32> to vector<1x16xi32>
      tpu.vector_store %arg7[%swap3A_592, %swap3A_593], %swap3A_596 {strides = array<i32>} : memref<160x128xi32, #tpu.memory_space<vmem>>, vector<1x16xi32>,
      %get3A_597 = arith.index_cast %add3A_536 : i32 to index
      %get3A_598 = arith.constant 80 : index
      %get3A_599 = tpu.vector_load %arg7[%get3A_597, %get3A_598] {strides = array<i32>} : memref<160x128xi32, #tpu.memory_space<vmem>>, vector<1x16xi32>,
      %get3A_600 = vector.shape_cast %get3A_599 : vector<1x16xi32> to vector<16xi32>
      %add3A_601 = arith.addi %get3A_600, %get3A_600 : vector<16xi32>
      %add3A_602 = vector.broadcast %arg0 : i32 to vector<16xi32>
      %add3A_603 = arith.addi %add3A_601, %add3A_602 : vector<16xi32>
      %swap3A_604 = arith.index_cast %add3A_536 : i32 to index
      %swap3A_605 = arith.constant 80 : index
      %swap3A_606 = tpu.vector_load %arg7[%swap3A_604, %swap3A_605] {strides = array<i32>} : memref<160x128xi32, #tpu.memory_space<vmem>>, vector<1x16xi32>,
      %swap3A_607 = vector.shape_cast %swap3A_606 : vector<1x16xi32> to vector<16xi32>
      %swap3A_608 = vector.shape_cast %add3A_603 : vector<16xi32> to vector<1x16xi32>
      tpu.vector_store %arg7[%swap3A_604, %swap3A_605], %swap3A_608 {strides = array<i32>} : memref<160x128xi32, #tpu.memory_space<vmem>>, vector<1x16xi32>,
      %get3A_609 = arith.index_cast %add3A_536 : i32 to index
      %get3A_610 = arith.constant 96 : index
      %get3A_611 = tpu.vector_load %arg7[%get3A_609, %get3A_610] {strides = array<i32>} : memref<160x128xi32, #tpu.memory_space<vmem>>, vector<1x16xi32>,
      %get3A_612 = vector.shape_cast %get3A_611 : vector<1x16xi32> to vector<16xi32>
      %add3A_613 = arith.addi %get3A_612, %get3A_612 : vector<16xi32>
      %add3A_614 = vector.broadcast %arg0 : i32 to vector<16xi32>
      %add3A_615 = arith.addi %add3A_613, %add3A_614 : vector<16xi32>
      %swap3A_616 = arith.index_cast %add3A_536 : i32 to index
      %swap3A_617 = arith.constant 96 : index
      %swap3A_618 = tpu.vector_load %arg7[%swap3A_616, %swap3A_617] {strides = array<i32>} : memref<160x128xi32, #tpu.memory_space<vmem>>, vector<1x16xi32>,
      %swap3A_619 = vector.shape_cast %swap3A_618 : vector<1x16xi32> to vector<16xi32>
      %swap3A_620 = vector.shape_cast %add3A_615 : vector<16xi32> to vector<1x16xi32>
      tpu.vector_store %arg7[%swap3A_616, %swap3A_617], %swap3A_620 {strides = array<i32>} : memref<160x128xi32, #tpu.memory_space<vmem>>, vector<1x16xi32>,
      %get3A_621 = arith.index_cast %add3A_536 : i32 to index
      %get3A_622 = arith.constant 112 : index
      %get3A_623 = tpu.vector_load %arg7[%get3A_621, %get3A_622] {strides = array<i32>} : memref<160x128xi32, #tpu.memory_space<vmem>>, vector<1x16xi32>,
      %get3A_624 = vector.shape_cast %get3A_623 : vector<1x16xi32> to vector<16xi32>
      %add3A_625 = arith.addi %get3A_624, %get3A_624 : vector<16xi32>
      %add3A_626 = vector.broadcast %arg0 : i32 to vector<16xi32>
      %add3A_627 = arith.addi %add3A_625, %add3A_626 : vector<16xi32>
      %swap3A_628 = arith.index_cast %add3A_536 : i32 to index
      %swap3A_629 = arith.constant 112 : index
      %swap3A_630 = tpu.vector_load %arg7[%swap3A_628, %swap3A_629] {strides = array<i32>} : memref<160x128xi32, #tpu.memory_space<vmem>>, vector<1x16xi32>,
      %swap3A_631 = vector.shape_cast %swap3A_630 : vector<1x16xi32> to vector<16xi32>
      %swap3A_632 = vector.shape_cast %add3A_627 : vector<16xi32> to vector<1x16xi32>
      tpu.vector_store %arg7[%swap3A_628, %swap3A_629], %swap3A_632 {strides = array<i32>} : memref<160x128xi32, #tpu.memory_space<vmem>>, vector<1x16xi32>,
      %add3A_633 = arith.constant 2 : i32
      %add3A_634 = arith.addi %add3A_532, %add3A_633 : i32
      %dma_start3A_635 = arith.constant 0 : i32
      %dma_start3A_636 = tpu.memref_slice %arg7[%add3A_634, %dma_start3A_635] : memref<160x128xi32, #tpu.memory_space<vmem>> -> memref<1x128xi32, #tpu.memory_space<vmem>>
      %dma_start3A_637 = tpu.memref_squeeze %dma_start3A_636 : memref<1x128xi32, #tpu.memory_space<vmem>> -> memref<128xi32, #tpu.memory_space<vmem>>
      %dma_start3A_638 = arith.constant 0 : i32
      %dma_start3A_639 = arith.constant 0 : i32
      %dma_start3A_640 = tpu.memref_slice %arg4[%dma_start3A_638, %dma_start3A_639] : memref<20000x64xf32, #tpu.memory_space<hbm>> -> memref<20000x64xf32, #tpu.memory_space<hbm>>
      tpu.enqueue_indirect_dma source(%dma_start3A_640 : memref<20000x64xf32, #tpu.memory_space<hbm>>) target(%arg10 : memref<128x64xf32, #tpu.memory_space<vmem>>) offsets(%dma_start3A_637 : memref<128xi32, #tpu.memory_space<vmem>>) semaphore(%arg16 : memref<!tpu.dma_semaphore, #tpu.memory_space<semaphore_mem>>)
      %dma_wait3A_641 = arith.constant 0 : i32
      %dma_wait3A_642 = arith.constant 0 : i32
      %dma_wait3A_643 = tpu.memref_slice %arg7[%dma_wait3A_641, %dma_wait3A_642] : memref<160x128xi32, #tpu.memory_space<vmem>> -> memref<1x128xi32, #tpu.memory_space<vmem>>
      %dma_wait3A_644 = tpu.memref_squeeze %dma_wait3A_643 : memref<1x128xi32, #tpu.memory_space<vmem>> -> memref<128xi32, #tpu.memory_space<vmem>>
      %dma_wait3A_645 = arith.constant 0 : i32
      %dma_wait3A_646 = arith.constant 0 : i32
      %dma_wait3A_647 = tpu.memref_slice %arg4[%dma_wait3A_645, %dma_wait3A_646] : memref<20000x64xf32, #tpu.memory_space<hbm>> -> memref<20000x64xf32, #tpu.memory_space<hbm>>
      tpu.wait_indirect_dma semaphore(%arg14 : memref<!tpu.dma_semaphore, #tpu.memory_space<semaphore_mem>>) src(%dma_wait3A_647 : memref<20000x64xf32, #tpu.memory_space<hbm>>) dst(%arg8 : memref<128x64xf32, #tpu.memory_space<vmem>>)
      %dma_start3A_648 = arith.constant 0 : i32
      %dma_start3A_649 = tpu.memref_slice %arg6[%add3A_532, %dma_start3A_648] : memref<160x128xi32, #tpu.memory_space<vmem>> -> memref<1x128xi32, #tpu.memory_space<vmem>>
      %dma_start3A_650 = tpu.memref_squeeze %dma_start3A_649 : memref<1x128xi32, #tpu.memory_space<vmem>> -> memref<128xi32, #tpu.memory_space<vmem>>
      %dma_start3A_651 = arith.constant 0 : i32
      %dma_start3A_652 = arith.constant 0 : i32
      %dma_start3A_653 = tpu.memref_slice %arg13[%dma_start3A_651, %dma_start3A_652] : memref<10240x64xf32, #tpu.memory_space<vmem_shared>> -> memref<10240x64xf32, #tpu.memory_space<vmem_shared>>
      tpu.enqueue_indirect_dma source(%arg8 : memref<128x64xf32, #tpu.memory_space<vmem>>) target(%dma_start3A_653 : memref<10240x64xf32, #tpu.memory_space<vmem_shared>>) offsets(%dma_start3A_650 : memref<128xi32, #tpu.memory_space<vmem>>) semaphore(%arg19 : memref<!tpu.dma_semaphore, #tpu.memory_space<semaphore_mem>>) {add = true}
      %mul3A_654 = arith.constant 5 : i32
      %mul3A_655 = arith.muli %mul3A_654, %scan3A_528 : i32
      %add3A_656 = arith.constant 1 : i32
      %add3A_657 = arith.addi %mul3A_655, %add3A_656 : i32
      %gt3A_658 = arith.constant 0 : i32
      %gt3A_659 = arith.cmpi sgt, %scan3A_528, %gt3A_658 : i32
      %convert_element_type3A_660 = arith.extui %gt3A_659 : i1 to i32
      %cond3A_661 = arith.constant 0 : i32
      %cond3A_662 = arith.cmpi ne, %convert_element_type3A_660, %cond3A_661 : i32
      scf.if %cond3A_662 {
        %dma_wait3A_967 = arith.constant 0 : i32
        %dma_wait3A_968 = arith.constant 0 : i32
        %dma_wait3A_969 = tpu.memref_slice %arg7[%dma_wait3A_967, %dma_wait3A_968] : memref<160x128xi32, #tpu.memory_space<vmem>> -> memref<1x128xi32, #tpu.memory_space<vmem>>
        %dma_wait3A_970 = tpu.memref_squeeze %dma_wait3A_969 : memref<1x128xi32, #tpu.memory_space<vmem>> -> memref<128xi32, #tpu.memory_space<vmem>>
        %dma_wait3A_971 = arith.constant 0 : i32
        %dma_wait3A_972 = arith.constant 0 : i32
        %dma_wait3A_973 = tpu.memref_slice %arg4[%dma_wait3A_971, %dma_wait3A_972] : memref<20000x64xf32, #tpu.memory_space<hbm>> -> memref<20000x64xf32, #tpu.memory_space<hbm>>
        tpu.wait_indirect_dma semaphore(%arg22 : memref<!tpu.dma_semaphore, #tpu.memory_space<semaphore_mem>>) src(%dma_wait3A_973 : memref<20000x64xf32, #tpu.memory_space<hbm>>) dst(%arg11 : memref<128x64xf32, #tpu.memory_space<vmem>>)
      } else {
      }
      %add3A_663 = arith.constant 2 : i32
      %add3A_664 = arith.addi %add3A_657, %add3A_663 : i32
      %get3A_665 = arith.index_cast %add3A_664 : i32 to index
      %get3A_666 = arith.constant 0 : index
      %get3A_667 = tpu.vector_load %arg7[%get3A_665, %get3A_666] {strides = array<i32>} : memref<160x128xi32, #tpu.memory_space<vmem>>, vector<1x16xi32>,
      %get3A_668 = vector.shape_cast %get3A_667 : vector<1x16xi32> to vector<16xi32>
      %add3A_669 = arith.addi %get3A_668, %get3A_668 : vector<16xi32>
      %add3A_670 = vector.broadcast %arg0 : i32 to vector<16xi32>
      %add3A_671 = arith.addi %add3A_669, %add3A_670 : vector<16xi32>
      %swap3A_672 = arith.index_cast %add3A_664 : i32 to index
      %swap3A_673 = arith.constant 0 : index
      %swap3A_674 = tpu.vector_load %arg7[%swap3A_672, %swap3A_673] {strides = array<i32>} : memref<160x128xi32, #tpu.memory_space<vmem>>, vector<1x16xi32>,
      %swap3A_675 = vector.shape_cast %swap3A_674 : vector<1x16xi32> to vector<16xi32>
      %swap3A_676 = vector.shape_cast %add3A_671 : vector<16xi32> to vector<1x16xi32>
      tpu.vector_store %arg7[%swap3A_672, %swap3A_673], %swap3A_676 {strides = array<i32>} : memref<160x128xi32, #tpu.memory_space<vmem>>, vector<1x16xi32>,
      %get3A_677 = arith.index_cast %add3A_664 : i32 to index
      %get3A_678 = arith.constant 16 : index
      %get3A_679 = tpu.vector_load %arg7[%get3A_677, %get3A_678] {strides = array<i32>} : memref<160x128xi32, #tpu.memory_space<vmem>>, vector<1x16xi32>,
      %get3A_680 = vector.shape_cast %get3A_679 : vector<1x16xi32> to vector<16xi32>
      %add3A_681 = arith.addi %get3A_680, %get3A_680 : vector<16xi32>
      %add3A_682 = vector.broadcast %arg0 : i32 to vector<16xi32>
      %add3A_683 = arith.addi %add3A_681, %add3A_682 : vector<16xi32>
      %swap3A_684 = arith.index_cast %add3A_664 : i32 to index
      %swap3A_685 = arith.constant 16 : index
      %swap3A_686 = tpu.vector_load %arg7[%swap3A_684, %swap3A_685] {strides = array<i32>} : memref<160x128xi32, #tpu.memory_space<vmem>>, vector<1x16xi32>,
      %swap3A_687 = vector.shape_cast %swap3A_686 : vector<1x16xi32> to vector<16xi32>
      %swap3A_688 = vector.shape_cast %add3A_683 : vector<16xi32> to vector<1x16xi32>
      tpu.vector_store %arg7[%swap3A_684, %swap3A_685], %swap3A_688 {strides = array<i32>} : memref<160x128xi32, #tpu.memory_space<vmem>>, vector<1x16xi32>,
      %get3A_689 = arith.index_cast %add3A_664 : i32 to index
      %get3A_690 = arith.constant 32 : index
      %get3A_691 = tpu.vector_load %arg7[%get3A_689, %get3A_690] {strides = array<i32>} : memref<160x128xi32, #tpu.memory_space<vmem>>, vector<1x16xi32>,
      %get3A_692 = vector.shape_cast %get3A_691 : vector<1x16xi32> to vector<16xi32>
      %add3A_693 = arith.addi %get3A_692, %get3A_692 : vector<16xi32>
      %add3A_694 = vector.broadcast %arg0 : i32 to vector<16xi32>
      %add3A_695 = arith.addi %add3A_693, %add3A_694 : vector<16xi32>
      %swap3A_696 = arith.index_cast %add3A_664 : i32 to index
      %swap3A_697 = arith.constant 32 : index
      %swap3A_698 = tpu.vector_load %arg7[%swap3A_696, %swap3A_697] {strides = array<i32>} : memref<160x128xi32, #tpu.memory_space<vmem>>, vector<1x16xi32>,
      %swap3A_699 = vector.shape_cast %swap3A_698 : vector<1x16xi32> to vector<16xi32>
      %swap3A_700 = vector.shape_cast %add3A_695 : vector<16xi32> to vector<1x16xi32>
      tpu.vector_store %arg7[%swap3A_696, %swap3A_697], %swap3A_700 {strides = array<i32>} : memref<160x128xi32, #tpu.memory_space<vmem>>, vector<1x16xi32>,
      %get3A_701 = arith.index_cast %add3A_664 : i32 to index
      %get3A_702 = arith.constant 48 : index
      %get3A_703 = tpu.vector_load %arg7[%get3A_701, %get3A_702] {strides = array<i32>} : memref<160x128xi32, #tpu.memory_space<vmem>>, vector<1x16xi32>,
      %get3A_704 = vector.shape_cast %get3A_703 : vector<1x16xi32> to vector<16xi32>
      %add3A_705 = arith.addi %get3A_704, %get3A_704 : vector<16xi32>
      %add3A_706 = vector.broadcast %arg0 : i32 to vector<16xi32>
      %add3A_707 = arith.addi %add3A_705, %add3A_706 : vector<16xi32>
      %swap3A_708 = arith.index_cast %add3A_664 : i32 to index
      %swap3A_709 = arith.constant 48 : index
      %swap3A_710 = tpu.vector_load %arg7[%swap3A_708, %swap3A_709] {strides = array<i32>} : memref<160x128xi32, #tpu.memory_space<vmem>>, vector<1x16xi32>,
      %swap3A_711 = vector.shape_cast %swap3A_710 : vector<1x16xi32> to vector<16xi32>
      %swap3A_712 = vector.shape_cast %add3A_707 : vector<16xi32> to vector<1x16xi32>
      tpu.vector_store %arg7[%swap3A_708, %swap3A_709], %swap3A_712 {strides = array<i32>} : memref<160x128xi32, #tpu.memory_space<vmem>>, vector<1x16xi32>,
      %get3A_713 = arith.index_cast %add3A_664 : i32 to index
      %get3A_714 = arith.constant 64 : index
      %get3A_715 = tpu.vector_load %arg7[%get3A_713, %get3A_714] {strides = array<i32>} : memref<160x128xi32, #tpu.memory_space<vmem>>, vector<1x16xi32>,
      %get3A_716 = vector.shape_cast %get3A_715 : vector<1x16xi32> to vector<16xi32>
      %add3A_717 = arith.addi %get3A_716, %get3A_716 : vector<16xi32>
      %add3A_718 = vector.broadcast %arg0 : i32 to vector<16xi32>
      %add3A_719 = arith.addi %add3A_717, %add3A_718 : vector<16xi32>
      %swap3A_720 = arith.index_cast %add3A_664 : i32 to index
      %swap3A_721 = arith.constant 64 : index
      %swap3A_722 = tpu.vector_load %arg7[%swap3A_720, %swap3A_721] {strides = array<i32>} : memref<160x128xi32, #tpu.memory_space<vmem>>, vector<1x16xi32>,
      %swap3A_723 = vector.shape_cast %swap3A_722 : vector<1x16xi32> to vector<16xi32>
      %swap3A_724 = vector.shape_cast %add3A_719 : vector<16xi32> to vector<1x16xi32>
      tpu.vector_store %arg7[%swap3A_720, %swap3A_721], %swap3A_724 {strides = array<i32>} : memref<160x128xi32, #tpu.memory_space<vmem>>, vector<1x16xi32>,
      %get3A_725 = arith.index_cast %add3A_664 : i32 to index
      %get3A_726 = arith.constant 80 : index
      %get3A_727 = tpu.vector_load %arg7[%get3A_725, %get3A_726] {strides = array<i32>} : memref<160x128xi32, #tpu.memory_space<vmem>>, vector<1x16xi32>,
      %get3A_728 = vector.shape_cast %get3A_727 : vector<1x16xi32> to vector<16xi32>
      %add3A_729 = arith.addi %get3A_728, %get3A_728 : vector<16xi32>
      %add3A_730 = vector.broadcast %arg0 : i32 to vector<16xi32>
      %add3A_731 = arith.addi %add3A_729, %add3A_730 : vector<16xi32>
      %swap3A_732 = arith.index_cast %add3A_664 : i32 to index
      %swap3A_733 = arith.constant 80 : index
      %swap3A_734 = tpu.vector_load %arg7[%swap3A_732, %swap3A_733] {strides = array<i32>} : memref<160x128xi32, #tpu.memory_space<vmem>>, vector<1x16xi32>,
      %swap3A_735 = vector.shape_cast %swap3A_734 : vector<1x16xi32> to vector<16xi32>
      %swap3A_736 = vector.shape_cast %add3A_731 : vector<16xi32> to vector<1x16xi32>
      tpu.vector_store %arg7[%swap3A_732, %swap3A_733], %swap3A_736 {strides = array<i32>} : memref<160x128xi32, #tpu.memory_space<vmem>>, vector<1x16xi32>,
      %get3A_737 = arith.index_cast %add3A_664 : i32 to index
      %get3A_738 = arith.constant 96 : index
      %get3A_739 = tpu.vector_load %arg7[%get3A_737, %get3A_738] {strides = array<i32>} : memref<160x128xi32, #tpu.memory_space<vmem>>, vector<1x16xi32>,
      %get3A_740 = vector.shape_cast %get3A_739 : vector<1x16xi32> to vector<16xi32>
      %add3A_741 = arith.addi %get3A_740, %get3A_740 : vector<16xi32>
      %add3A_742 = vector.broadcast %arg0 : i32 to vector<16xi32>
      %add3A_743 = arith.addi %add3A_741, %add3A_742 : vector<16xi32>
      %swap3A_744 = arith.index_cast %add3A_664 : i32 to index
      %swap3A_745 = arith.constant 96 : index
      %swap3A_746 = tpu.vector_load %arg7[%swap3A_744, %swap3A_745] {strides = array<i32>} : memref<160x128xi32, #tpu.memory_space<vmem>>, vector<1x16xi32>,
      %swap3A_747 = vector.shape_cast %swap3A_746 : vector<1x16xi32> to vector<16xi32>
      %swap3A_748 = vector.shape_cast %add3A_743 : vector<16xi32> to vector<1x16xi32>
      tpu.vector_store %arg7[%swap3A_744, %swap3A_745], %swap3A_748 {strides = array<i32>} : memref<160x128xi32, #tpu.memory_space<vmem>>, vector<1x16xi32>,
      %get3A_749 = arith.index_cast %add3A_664 : i32 to index
      %get3A_750 = arith.constant 112 : index
      %get3A_751 = tpu.vector_load %arg7[%get3A_749, %get3A_750] {strides = array<i32>} : memref<160x128xi32, #tpu.memory_space<vmem>>, vector<1x16xi32>,
      %get3A_752 = vector.shape_cast %get3A_751 : vector<1x16xi32> to vector<16xi32>
      %add3A_753 = arith.addi %get3A_752, %get3A_752 : vector<16xi32>
      %add3A_754 = vector.broadcast %arg0 : i32 to vector<16xi32>
      %add3A_755 = arith.addi %add3A_753, %add3A_754 : vector<16xi32>
      %swap3A_756 = arith.index_cast %add3A_664 : i32 to index
      %swap3A_757 = arith.constant 112 : index
      %swap3A_758 = tpu.vector_load %arg7[%swap3A_756, %swap3A_757] {strides = array<i32>} : memref<160x128xi32, #tpu.memory_space<vmem>>, vector<1x16xi32>,
      %swap3A_759 = vector.shape_cast %swap3A_758 : vector<1x16xi32> to vector<16xi32>
      %swap3A_760 = vector.shape_cast %add3A_755 : vector<16xi32> to vector<1x16xi32>
      tpu.vector_store %arg7[%swap3A_756, %swap3A_757], %swap3A_760 {strides = array<i32>} : memref<160x128xi32, #tpu.memory_space<vmem>>, vector<1x16xi32>,
      %add3A_761 = arith.constant 2 : i32
      %add3A_762 = arith.addi %add3A_657, %add3A_761 : i32
      %dma_start3A_763 = arith.constant 0 : i32
      %dma_start3A_764 = tpu.memref_slice %arg7[%add3A_762, %dma_start3A_763] : memref<160x128xi32, #tpu.memory_space<vmem>> -> memref<1x128xi32, #tpu.memory_space<vmem>>
      %dma_start3A_765 = tpu.memref_squeeze %dma_start3A_764 : memref<1x128xi32, #tpu.memory_space<vmem>> -> memref<128xi32, #tpu.memory_space<vmem>>
      %dma_start3A_766 = arith.constant 0 : i32
      %dma_start3A_767 = arith.constant 0 : i32
      %dma_start3A_768 = tpu.memref_slice %arg4[%dma_start3A_766, %dma_start3A_767] : memref<20000x64xf32, #tpu.memory_space<hbm>> -> memref<20000x64xf32, #tpu.memory_space<hbm>>
      tpu.enqueue_indirect_dma source(%dma_start3A_768 : memref<20000x64xf32, #tpu.memory_space<hbm>>) target(%arg11 : memref<128x64xf32, #tpu.memory_space<vmem>>) offsets(%dma_start3A_765 : memref<128xi32, #tpu.memory_space<vmem>>) semaphore(%arg17 : memref<!tpu.dma_semaphore, #tpu.memory_space<semaphore_mem>>)
      %dma_wait3A_769 = arith.constant 0 : i32
      %dma_wait3A_770 = arith.constant 0 : i32
      %dma_wait3A_771 = tpu.memref_slice %arg7[%dma_wait3A_769, %dma_wait3A_770] : memref<160x128xi32, #tpu.memory_space<vmem>> -> memref<1x128xi32, #tpu.memory_space<vmem>>
      %dma_wait3A_772 = tpu.memref_squeeze %dma_wait3A_771 : memref<1x128xi32, #tpu.memory_space<vmem>> -> memref<128xi32, #tpu.memory_space<vmem>>
      %dma_wait3A_773 = arith.constant 0 : i32
      %dma_wait3A_774 = arith.constant 0 : i32
      %dma_wait3A_775 = tpu.memref_slice %arg4[%dma_wait3A_773, %dma_wait3A_774] : memref<20000x64xf32, #tpu.memory_space<hbm>> -> memref<20000x64xf32, #tpu.memory_space<hbm>>
      tpu.wait_indirect_dma semaphore(%arg15 : memref<!tpu.dma_semaphore, #tpu.memory_space<semaphore_mem>>) src(%dma_wait3A_775 : memref<20000x64xf32, #tpu.memory_space<hbm>>) dst(%arg9 : memref<128x64xf32, #tpu.memory_space<vmem>>)
      %dma_start3A_776 = arith.constant 0 : i32
      %dma_start3A_777 = tpu.memref_slice %arg6[%add3A_657, %dma_start3A_776] : memref<160x128xi32, #tpu.memory_space<vmem>> -> memref<1x128xi32, #tpu.memory_space<vmem>>
      %dma_start3A_778 = tpu.memref_squeeze %dma_start3A_777 : memref<1x128xi32, #tpu.memory_space<vmem>> -> memref<128xi32, #tpu.memory_space<vmem>>
      %dma_start3A_779 = arith.constant 0 : i32
      %dma_start3A_780 = arith.constant 0 : i32
      %dma_start3A_781 = tpu.memref_slice %arg13[%dma_start3A_779, %dma_start3A_780] : memref<10240x64xf32, #tpu.memory_space<vmem_shared>> -> memref<10240x64xf32, #tpu.memory_space<vmem_shared>>
      tpu.enqueue_indirect_dma source(%arg9 : memref<128x64xf32, #tpu.memory_space<vmem>>) target(%dma_start3A_781 : memref<10240x64xf32, #tpu.memory_space<vmem_shared>>) offsets(%dma_start3A_778 : memref<128xi32, #tpu.memory_space<vmem>>) semaphore(%arg20 : memref<!tpu.dma_semaphore, #tpu.memory_space<semaphore_mem>>) {add = true}
      %mul3A_782 = arith.constant 5 : i32
      %mul3A_783 = arith.muli %mul3A_782, %scan3A_528 : i32
      %add3A_784 = arith.constant 2 : i32
      %add3A_785 = arith.addi %mul3A_783, %add3A_784 : i32
      %gt3A_786 = arith.constant 0 : i32
      %gt3A_787 = arith.cmpi sgt, %scan3A_528, %gt3A_786 : i32
      %convert_element_type3A_788 = arith.extui %gt3A_787 : i1 to i32
      %cond3A_789 = arith.constant 0 : i32
      %cond3A_790 = arith.cmpi ne, %convert_element_type3A_788, %cond3A_789 : i32
      scf.if %cond3A_790 {
        %dma_wait3A_967 = arith.constant 0 : i32
        %dma_wait3A_968 = arith.constant 0 : i32
        %dma_wait3A_969 = tpu.memref_slice %arg7[%dma_wait3A_967, %dma_wait3A_968] : memref<160x128xi32, #tpu.memory_space<vmem>> -> memref<1x128xi32, #tpu.memory_space<vmem>>
        %dma_wait3A_970 = tpu.memref_squeeze %dma_wait3A_969 : memref<1x128xi32, #tpu.memory_space<vmem>> -> memref<128xi32, #tpu.memory_space<vmem>>
        %dma_wait3A_971 = arith.constant 0 : i32
        %dma_wait3A_972 = arith.constant 0 : i32
        %dma_wait3A_973 = tpu.memref_slice %arg4[%dma_wait3A_971, %dma_wait3A_972] : memref<20000x64xf32, #tpu.memory_space<hbm>> -> memref<20000x64xf32, #tpu.memory_space<hbm>>
        tpu.wait_indirect_dma semaphore(%arg23 : memref<!tpu.dma_semaphore, #tpu.memory_space<semaphore_mem>>) src(%dma_wait3A_973 : memref<20000x64xf32, #tpu.memory_space<hbm>>) dst(%arg12 : memref<128x64xf32, #tpu.memory_space<vmem>>)
      } else {
      }
      %add3A_791 = arith.constant 2 : i32
      %add3A_792 = arith.addi %add3A_785, %add3A_791 : i32
      %get3A_793 = arith.index_cast %add3A_792 : i32 to index
      %get3A_794 = arith.constant 0 : index
      %get3A_795 = tpu.vector_load %arg7[%get3A_793, %get3A_794] {strides = array<i32>} : memref<160x128xi32, #tpu.memory_space<vmem>>, vector<1x16xi32>,
      %get3A_796 = vector.shape_cast %get3A_795 : vector<1x16xi32> to vector<16xi32>
      %add3A_797 = arith.addi %get3A_796, %get3A_796 : vector<16xi32>
      %add3A_798 = vector.broadcast %arg0 : i32 to vector<16xi32>
      %add3A_799 = arith.addi %add3A_797, %add3A_798 : vector<16xi32>
      %swap3A_800 = arith.index_cast %add3A_792 : i32 to index
      %swap3A_801 = arith.constant 0 : index
      %swap3A_802 = tpu.vector_load %arg7[%swap3A_800, %swap3A_801] {strides = array<i32>} : memref<160x128xi32, #tpu.memory_space<vmem>>, vector<1x16xi32>,
      %swap3A_803 = vector.shape_cast %swap3A_802 : vector<1x16xi32> to vector<16xi32>
      %swap3A_804 = vector.shape_cast %add3A_799 : vector<16xi32> to vector<1x16xi32>
      tpu.vector_store %arg7[%swap3A_800, %swap3A_801], %swap3A_804 {strides = array<i32>} : memref<160x128xi32, #tpu.memory_space<vmem>>, vector<1x16xi32>,
      %get3A_805 = arith.index_cast %add3A_792 : i32 to index
      %get3A_806 = arith.constant 16 : index
      %get3A_807 = tpu.vector_load %arg7[%get3A_805, %get3A_806] {strides = array<i32>} : memref<160x128xi32, #tpu.memory_space<vmem>>, vector<1x16xi32>,
      %get3A_808 = vector.shape_cast %get3A_807 : vector<1x16xi32> to vector<16xi32>
      %add3A_809 = arith.addi %get3A_808, %get3A_808 : vector<16xi32>
      %add3A_810 = vector.broadcast %arg0 : i32 to vector<16xi32>
      %add3A_811 = arith.addi %add3A_809, %add3A_810 : vector<16xi32>
      %swap3A_812 = arith.index_cast %add3A_792 : i32 to index
      %swap3A_813 = arith.constant 16 : index
      %swap3A_814 = tpu.vector_load %arg7[%swap3A_812, %swap3A_813] {strides = array<i32>} : memref<160x128xi32, #tpu.memory_space<vmem>>, vector<1x16xi32>,
      %swap3A_815 = vector.shape_cast %swap3A_814 : vector<1x16xi32> to vector<16xi32>
      %swap3A_816 = vector.shape_cast %add3A_811 : vector<16xi32> to vector<1x16xi32>
      tpu.vector_store %arg7[%swap3A_812, %swap3A_813], %swap3A_816 {strides = array<i32>} : memref<160x128xi32, #tpu.memory_space<vmem>>, vector<1x16xi32>,
      %get3A_817 = arith.index_cast %add3A_792 : i32 to index
      %get3A_818 = arith.constant 32 : index
      %get3A_819 = tpu.vector_load %arg7[%get3A_817, %get3A_818] {strides = array<i32>} : memref<160x128xi32, #tpu.memory_space<vmem>>, vector<1x16xi32>,
      %get3A_820 = vector.shape_cast %get3A_819 : vector<1x16xi32> to vector<16xi32>
      %add3A_821 = arith.addi %get3A_820, %get3A_820 : vector<16xi32>
      %add3A_822 = vector.broadcast %arg0 : i32 to vector<16xi32>
      %add3A_823 = arith.addi %add3A_821, %add3A_822 : vector<16xi32>
      %swap3A_824 = arith.index_cast %add3A_792 : i32 to index
      %swap3A_825 = arith.constant 32 : index
      %swap3A_826 = tpu.vector_load %arg7[%swap3A_824, %swap3A_825] {strides = array<i32>} : memref<160x128xi32, #tpu.memory_space<vmem>>, vector<1x16xi32>,
      %swap3A_827 = vector.shape_cast %swap3A_826 : vector<1x16xi32> to vector<16xi32>
      %swap3A_828 = vector.shape_cast %add3A_823 : vector<16xi32> to vector<1x16xi32>
      tpu.vector_store %arg7[%swap3A_824, %swap3A_825], %swap3A_828 {strides = array<i32>} : memref<160x128xi32, #tpu.memory_space<vmem>>, vector<1x16xi32>,
      %get3A_829 = arith.index_cast %add3A_792 : i32 to index
      %get3A_830 = arith.constant 48 : index
      %get3A_831 = tpu.vector_load %arg7[%get3A_829, %get3A_830] {strides = array<i32>} : memref<160x128xi32, #tpu.memory_space<vmem>>, vector<1x16xi32>,
      %get3A_832 = vector.shape_cast %get3A_831 : vector<1x16xi32> to vector<16xi32>
      %add3A_833 = arith.addi %get3A_832, %get3A_832 : vector<16xi32>
      %add3A_834 = vector.broadcast %arg0 : i32 to vector<16xi32>
      %add3A_835 = arith.addi %add3A_833, %add3A_834 : vector<16xi32>
      %swap3A_836 = arith.index_cast %add3A_792 : i32 to index
      %swap3A_837 = arith.constant 48 : index
      %swap3A_838 = tpu.vector_load %arg7[%swap3A_836, %swap3A_837] {strides = array<i32>} : memref<160x128xi32, #tpu.memory_space<vmem>>, vector<1x16xi32>,
      %swap3A_839 = vector.shape_cast %swap3A_838 : vector<1x16xi32> to vector<16xi32>
      %swap3A_840 = vector.shape_cast %add3A_835 : vector<16xi32> to vector<1x16xi32>
      tpu.vector_store %arg7[%swap3A_836, %swap3A_837], %swap3A_840 {strides = array<i32>} : memref<160x128xi32, #tpu.memory_space<vmem>>, vector<1x16xi32>,
      %get3A_841 = arith.index_cast %add3A_792 : i32 to index
      %get3A_842 = arith.constant 64 : index
      %get3A_843 = tpu.vector_load %arg7[%get3A_841, %get3A_842] {strides = array<i32>} : memref<160x128xi32, #tpu.memory_space<vmem>>, vector<1x16xi32>,
      %get3A_844 = vector.shape_cast %get3A_843 : vector<1x16xi32> to vector<16xi32>
      %add3A_845 = arith.addi %get3A_844, %get3A_844 : vector<16xi32>
      %add3A_846 = vector.broadcast %arg0 : i32 to vector<16xi32>
      %add3A_847 = arith.addi %add3A_845, %add3A_846 : vector<16xi32>
      %swap3A_848 = arith.index_cast %add3A_792 : i32 to index
      %swap3A_849 = arith.constant 64 : index
      %swap3A_850 = tpu.vector_load %arg7[%swap3A_848, %swap3A_849] {strides = array<i32>} : memref<160x128xi32, #tpu.memory_space<vmem>>, vector<1x16xi32>,
      %swap3A_851 = vector.shape_cast %swap3A_850 : vector<1x16xi32> to vector<16xi32>
      %swap3A_852 = vector.shape_cast %add3A_847 : vector<16xi32> to vector<1x16xi32>
      tpu.vector_store %arg7[%swap3A_848, %swap3A_849], %swap3A_852 {strides = array<i32>} : memref<160x128xi32, #tpu.memory_space<vmem>>, vector<1x16xi32>,
      %get3A_853 = arith.index_cast %add3A_792 : i32 to index
      %get3A_854 = arith.constant 80 : index
      %get3A_855 = tpu.vector_load %arg7[%get3A_853, %get3A_854] {strides = array<i32>} : memref<160x128xi32, #tpu.memory_space<vmem>>, vector<1x16xi32>,
      %get3A_856 = vector.shape_cast %get3A_855 : vector<1x16xi32> to vector<16xi32>
      %add3A_857 = arith.addi %get3A_856, %get3A_856 : vector<16xi32>
      %add3A_858 = vector.broadcast %arg0 : i32 to vector<16xi32>
      %add3A_859 = arith.addi %add3A_857, %add3A_858 : vector<16xi32>
      %swap3A_860 = arith.index_cast %add3A_792 : i32 to index
      %swap3A_861 = arith.constant 80 : index
      %swap3A_862 = tpu.vector_load %arg7[%swap3A_860, %swap3A_861] {strides = array<i32>} : memref<160x128xi32, #tpu.memory_space<vmem>>, vector<1x16xi32>,
      %swap3A_863 = vector.shape_cast %swap3A_862 : vector<1x16xi32> to vector<16xi32>
      %swap3A_864 = vector.shape_cast %add3A_859 : vector<16xi32> to vector<1x16xi32>
      tpu.vector_store %arg7[%swap3A_860, %swap3A_861], %swap3A_864 {strides = array<i32>} : memref<160x128xi32, #tpu.memory_space<vmem>>, vector<1x16xi32>,
      %get3A_865 = arith.index_cast %add3A_792 : i32 to index
      %get3A_866 = arith.constant 96 : index
      %get3A_867 = tpu.vector_load %arg7[%get3A_865, %get3A_866] {strides = array<i32>} : memref<160x128xi32, #tpu.memory_space<vmem>>, vector<1x16xi32>,
      %get3A_868 = vector.shape_cast %get3A_867 : vector<1x16xi32> to vector<16xi32>
      %add3A_869 = arith.addi %get3A_868, %get3A_868 : vector<16xi32>
      %add3A_870 = vector.broadcast %arg0 : i32 to vector<16xi32>
      %add3A_871 = arith.addi %add3A_869, %add3A_870 : vector<16xi32>
      %swap3A_872 = arith.index_cast %add3A_792 : i32 to index
      %swap3A_873 = arith.constant 96 : index
      %swap3A_874 = tpu.vector_load %arg7[%swap3A_872, %swap3A_873] {strides = array<i32>} : memref<160x128xi32, #tpu.memory_space<vmem>>, vector<1x16xi32>,
      %swap3A_875 = vector.shape_cast %swap3A_874 : vector<1x16xi32> to vector<16xi32>
      %swap3A_876 = vector.shape_cast %add3A_871 : vector<16xi32> to vector<1x16xi32>
      tpu.vector_store %arg7[%swap3A_872, %swap3A_873], %swap3A_876 {strides = array<i32>} : memref<160x128xi32, #tpu.memory_space<vmem>>, vector<1x16xi32>,
      %get3A_877 = arith.index_cast %add3A_792 : i32 to index
      %get3A_878 = arith.constant 112 : index
      %get3A_879 = tpu.vector_load %arg7[%get3A_877, %get3A_878] {strides = array<i32>} : memref<160x128xi32, #tpu.memory_space<vmem>>, vector<1x16xi32>,
      %get3A_880 = vector.shape_cast %get3A_879 : vector<1x16xi32> to vector<16xi32>
      %add3A_881 = arith.addi %get3A_880, %get3A_880 : vector<16xi32>
      %add3A_882 = vector.broadcast %arg0 : i32 to vector<16xi32>
      %add3A_883 = arith.addi %add3A_881, %add3A_882 : vector<16xi32>
      %swap3A_884 = arith.index_cast %add3A_792 : i32 to index
      %swap3A_885 = arith.constant 112 : index
      %swap3A_886 = tpu.vector_load %arg7[%swap3A_884, %swap3A_885] {strides = array<i32>} : memref<160x128xi32, #tpu.memory_space<vmem>>, vector<1x16xi32>,
      %swap3A_887 = vector.shape_cast %swap3A_886 : vector<1x16xi32> to vector<16xi32>
      %swap3A_888 = vector.shape_cast %add3A_883 : vector<16xi32> to vector<1x16xi32>
      tpu.vector_store %arg7[%swap3A_884, %swap3A_885], %swap3A_888 {strides = array<i32>} : memref<160x128xi32, #tpu.memory_space<vmem>>, vector<1x16xi32>,
      %add3A_889 = arith.constant 2 : i32
      %add3A_890 = arith.addi %add3A_785, %add3A_889 : i32
      %dma_start3A_891 = arith.constant 0 : i32
      %dma_start3A_892 = tpu.memref_slice %arg7[%add3A_890, %dma_start3A_891] : memref<160x128xi32, #tpu.memory_space<vmem>> -> memref<1x128xi32, #tpu.memory_space<vmem>>
      %dma_start3A_893 = tpu.memref_squeeze %dma_start3A_892 : memref<1x128xi32, #tpu.memory_space<vmem>> -> memref<128xi32, #tpu.memory_space<vmem>>
      %dma_start3A_894 = arith.constant 0 : i32
      %dma_start3A_895 = arith.constant 0 : i32
      %dma_start3A_896 = tpu.memref_slice %arg4[%dma_start3A_894, %dma_start3A_895] : memref<20000x64xf32, #tpu.memory_space<hbm>> -> memref<20000x64xf32, #tpu.memory_space<hbm>>
      tpu.enqueue_indirect_dma source(%dma_start3A_896 : memref<20000x64xf32, #tpu.memory_space<hbm>>) target(%arg12 : memref<128x64xf32, #tpu.memory_space<vmem>>) offsets(%dma_start3A_893 : memref<128xi32, #tpu.memory_space<vmem>>) semaphore(%arg18 : memref<!tpu.dma_semaphore, #tpu.memory_space<semaphore_mem>>)
      %dma_wait3A_897 = arith.constant 0 : i32
      %dma_wait3A_898 = arith.constant 0 : i32
      %dma_wait3A_899 = tpu.memref_slice %arg7[%dma_wait3A_897, %dma_wait3A_898] : memref<160x128xi32, #tpu.memory_space<vmem>> -> memref<1x128xi32, #tpu.memory_space<vmem>>
      %dma_wait3A_900 = tpu.memref_squeeze %dma_wait3A_899 : memref<1x128xi32, #tpu.memory_space<vmem>> -> memref<128xi32, #tpu.memory_space<vmem>>
      %dma_wait3A_901 = arith.constant 0 : i32
      %dma_wait3A_902 = arith.constant 0 : i32
      %dma_wait3A_903 = tpu.memref_slice %arg4[%dma_wait3A_901, %dma_wait3A_902] : memref<20000x64xf32, #tpu.memory_space<hbm>> -> memref<20000x64xf32, #tpu.memory_space<hbm>>
      tpu.wait_indirect_dma semaphore(%arg16 : memref<!tpu.dma_semaphore, #tpu.memory_space<semaphore_mem>>) src(%dma_wait3A_903 : memref<20000x64xf32, #tpu.memory_space<hbm>>) dst(%arg10 : memref<128x64xf32, #tpu.memory_space<vmem>>)
      %dma_start3A_904 = arith.constant 0 : i32
      %dma_start3A_905 = tpu.memref_slice %arg6[%add3A_785, %dma_start3A_904] : memref<160x128xi32, #tpu.memory_space<vmem>> -> memref<1x128xi32, #tpu.memory_space<vmem>>
      %dma_start3A_906 = tpu.memref_squeeze %dma_start3A_905 : memref<1x128xi32, #tpu.memory_space<vmem>> -> memref<128xi32, #tpu.memory_space<vmem>>
      %dma_start3A_907 = arith.constant 0 : i32
      %dma_start3A_908 = arith.constant 0 : i32
      %dma_start3A_909 = tpu.memref_slice %arg13[%dma_start3A_907, %dma_start3A_908] : memref<10240x64xf32, #tpu.memory_space<vmem_shared>> -> memref<10240x64xf32, #tpu.memory_space<vmem_shared>>
      tpu.enqueue_indirect_dma source(%arg10 : memref<128x64xf32, #tpu.memory_space<vmem>>) target(%dma_start3A_909 : memref<10240x64xf32, #tpu.memory_space<vmem_shared>>) offsets(%dma_start3A_906 : memref<128xi32, #tpu.memory_space<vmem>>) semaphore(%arg21 : memref<!tpu.dma_semaphore, #tpu.memory_space<semaphore_mem>>) {add = true}
      %mul3A_910 = arith.constant 5 : i32
      %mul3A_911 = arith.muli %mul3A_910, %scan3A_528 : i32
      %add3A_912 = arith.constant 3 : i32
      %add3A_913 = arith.addi %mul3A_911, %add3A_912 : i32
      %dma_wait3A_914 = arith.constant 0 : i32
      %dma_wait3A_915 = arith.constant 0 : i32
      %dma_wait3A_916 = tpu.memref_slice %arg7[%dma_wait3A_914, %dma_wait3A_915] : memref<160x128xi32, #tpu.memory_space<vmem>> -> memref<1x128xi32, #tpu.memory_space<vmem>>
      %dma_wait3A_917 = tpu.memref_squeeze %dma_wait3A_916 : memref<1x128xi32, #tpu.memory_space<vmem>> -> memref<128xi32, #tpu.memory_space<vmem>>
      %dma_wait3A_918 = arith.constant 0 : i32
      %dma_wait3A_919 = arith.constant 0 : i32
      %dma_wait3A_920 = tpu.memref_slice %arg4[%dma_wait3A_918, %dma_wait3A_919] : memref<20000x64xf32, #tpu.memory_space<hbm>> -> memref<20000x64xf32, #tpu.memory_space<hbm>>
      tpu.wait_indirect_dma semaphore(%arg19 : memref<!tpu.dma_semaphore, #tpu.memory_space<semaphore_mem>>) src(%dma_wait3A_920 : memref<20000x64xf32, #tpu.memory_space<hbm>>) dst(%arg8 : memref<128x64xf32, #tpu.memory_space<vmem>>)
      %lt3A = arith.constant 31 : i32
      %lt3A_921 = arith.cmpi slt, %scan3A_528, %lt3A : i32
      %convert_element_type3A_922 = arith.extui %lt3A_921 : i1 to i32
      %cond3A_923 = arith.constant 0 : i32
      %cond3A_924 = arith.cmpi ne, %convert_element_type3A_922, %cond3A_923 : i32
      scf.if %cond3A_924 {
        %add3A_967 = arith.constant 2 : i32
        %add3A_968 = arith.addi %add3A_913, %add3A_967 : i32
        %get3A_969 = arith.index_cast %add3A_968 : i32 to index
        %get3A_970 = arith.constant 0 : index
        %get3A_971 = tpu.vector_load %arg7[%get3A_969, %get3A_970] {strides = array<i32>} : memref<160x128xi32, #tpu.memory_space<vmem>>, vector<1x16xi32>,
        %get3A_972 = vector.shape_cast %get3A_971 : vector<1x16xi32> to vector<16xi32>
        %add3A_973 = arith.addi %get3A_972, %get3A_972 : vector<16xi32>
        %add3A_974 = vector.broadcast %arg0 : i32 to vector<16xi32>
        %add3A_975 = arith.addi %add3A_973, %add3A_974 : vector<16xi32>
        %swap3A_976 = arith.index_cast %add3A_968 : i32 to index
        %swap3A_977 = arith.constant 0 : index
        %swap3A_978 = tpu.vector_load %arg7[%swap3A_976, %swap3A_977] {strides = array<i32>} : memref<160x128xi32, #tpu.memory_space<vmem>>, vector<1x16xi32>,
        %swap3A_979 = vector.shape_cast %swap3A_978 : vector<1x16xi32> to vector<16xi32>
        %swap3A_980 = vector.shape_cast %add3A_975 : vector<16xi32> to vector<1x16xi32>
        tpu.vector_store %arg7[%swap3A_976, %swap3A_977], %swap3A_980 {strides = array<i32>} : memref<160x128xi32, #tpu.memory_space<vmem>>, vector<1x16xi32>,
        %get3A_981 = arith.index_cast %add3A_968 : i32 to index
        %get3A_982 = arith.constant 16 : index
        %get3A_983 = tpu.vector_load %arg7[%get3A_981, %get3A_982] {strides = array<i32>} : memref<160x128xi32, #tpu.memory_space<vmem>>, vector<1x16xi32>,
        %get3A_984 = vector.shape_cast %get3A_983 : vector<1x16xi32> to vector<16xi32>
        %add3A_985 = arith.addi %get3A_984, %get3A_984 : vector<16xi32>
        %add3A_986 = vector.broadcast %arg0 : i32 to vector<16xi32>
        %add3A_987 = arith.addi %add3A_985, %add3A_986 : vector<16xi32>
        %swap3A_988 = arith.index_cast %add3A_968 : i32 to index
        %swap3A_989 = arith.constant 16 : index
        %swap3A_990 = tpu.vector_load %arg7[%swap3A_988, %swap3A_989] {strides = array<i32>} : memref<160x128xi32, #tpu.memory_space<vmem>>, vector<1x16xi32>,
        %swap3A_991 = vector.shape_cast %swap3A_990 : vector<1x16xi32> to vector<16xi32>
        %swap3A_992 = vector.shape_cast %add3A_987 : vector<16xi32> to vector<1x16xi32>
        tpu.vector_store %arg7[%swap3A_988, %swap3A_989], %swap3A_992 {strides = array<i32>} : memref<160x128xi32, #tpu.memory_space<vmem>>, vector<1x16xi32>,
        %get3A_993 = arith.index_cast %add3A_968 : i32 to index
        %get3A_994 = arith.constant 32 : index
        %get3A_995 = tpu.vector_load %arg7[%get3A_993, %get3A_994] {strides = array<i32>} : memref<160x128xi32, #tpu.memory_space<vmem>>, vector<1x16xi32>,
        %get3A_996 = vector.shape_cast %get3A_995 : vector<1x16xi32> to vector<16xi32>
        %add3A_997 = arith.addi %get3A_996, %get3A_996 : vector<16xi32>
        %add3A_998 = vector.broadcast %arg0 : i32 to vector<16xi32>
        %add3A_999 = arith.addi %add3A_997, %add3A_998 : vector<16xi32>
        %swap3A_1000 = arith.index_cast %add3A_968 : i32 to index
        %swap3A_1001 = arith.constant 32 : index
        %swap3A_1002 = tpu.vector_load %arg7[%swap3A_1000, %swap3A_1001] {strides = array<i32>} : memref<160x128xi32, #tpu.memory_space<vmem>>, vector<1x16xi32>,
        %swap3A_1003 = vector.shape_cast %swap3A_1002 : vector<1x16xi32> to vector<16xi32>
        %swap3A_1004 = vector.shape_cast %add3A_999 : vector<16xi32> to vector<1x16xi32>
        tpu.vector_store %arg7[%swap3A_1000, %swap3A_1001], %swap3A_1004 {strides = array<i32>} : memref<160x128xi32, #tpu.memory_space<vmem>>, vector<1x16xi32>,
        %get3A_1005 = arith.index_cast %add3A_968 : i32 to index
        %get3A_1006 = arith.constant 48 : index
        %get3A_1007 = tpu.vector_load %arg7[%get3A_1005, %get3A_1006] {strides = array<i32>} : memref<160x128xi32, #tpu.memory_space<vmem>>, vector<1x16xi32>,
        %get3A_1008 = vector.shape_cast %get3A_1007 : vector<1x16xi32> to vector<16xi32>
        %add3A_1009 = arith.addi %get3A_1008, %get3A_1008 : vector<16xi32>
        %add3A_1010 = vector.broadcast %arg0 : i32 to vector<16xi32>
        %add3A_1011 = arith.addi %add3A_1009, %add3A_1010 : vector<16xi32>
        %swap3A_1012 = arith.index_cast %add3A_968 : i32 to index
        %swap3A_1013 = arith.constant 48 : index
        %swap3A_1014 = tpu.vector_load %arg7[%swap3A_1012, %swap3A_1013] {strides = array<i32>} : memref<160x128xi32, #tpu.memory_space<vmem>>, vector<1x16xi32>,
        %swap3A_1015 = vector.shape_cast %swap3A_1014 : vector<1x16xi32> to vector<16xi32>
        %swap3A_1016 = vector.shape_cast %add3A_1011 : vector<16xi32> to vector<1x16xi32>
        tpu.vector_store %arg7[%swap3A_1012, %swap3A_1013], %swap3A_1016 {strides = array<i32>} : memref<160x128xi32, #tpu.memory_space<vmem>>, vector<1x16xi32>,
        %get3A_1017 = arith.index_cast %add3A_968 : i32 to index
        %get3A_1018 = arith.constant 64 : index
        %get3A_1019 = tpu.vector_load %arg7[%get3A_1017, %get3A_1018] {strides = array<i32>} : memref<160x128xi32, #tpu.memory_space<vmem>>, vector<1x16xi32>,
        %get3A_1020 = vector.shape_cast %get3A_1019 : vector<1x16xi32> to vector<16xi32>
        %add3A_1021 = arith.addi %get3A_1020, %get3A_1020 : vector<16xi32>
        %add3A_1022 = vector.broadcast %arg0 : i32 to vector<16xi32>
        %add3A_1023 = arith.addi %add3A_1021, %add3A_1022 : vector<16xi32>
        %swap3A_1024 = arith.index_cast %add3A_968 : i32 to index
        %swap3A_1025 = arith.constant 64 : index
        %swap3A_1026 = tpu.vector_load %arg7[%swap3A_1024, %swap3A_1025] {strides = array<i32>} : memref<160x128xi32, #tpu.memory_space<vmem>>, vector<1x16xi32>,
        %swap3A_1027 = vector.shape_cast %swap3A_1026 : vector<1x16xi32> to vector<16xi32>
        %swap3A_1028 = vector.shape_cast %add3A_1023 : vector<16xi32> to vector<1x16xi32>
        tpu.vector_store %arg7[%swap3A_1024, %swap3A_1025], %swap3A_1028 {strides = array<i32>} : memref<160x128xi32, #tpu.memory_space<vmem>>, vector<1x16xi32>,
        %get3A_1029 = arith.index_cast %add3A_968 : i32 to index
        %get3A_1030 = arith.constant 80 : index
        %get3A_1031 = tpu.vector_load %arg7[%get3A_1029, %get3A_1030] {strides = array<i32>} : memref<160x128xi32, #tpu.memory_space<vmem>>, vector<1x16xi32>,
        %get3A_1032 = vector.shape_cast %get3A_1031 : vector<1x16xi32> to vector<16xi32>
        %add3A_1033 = arith.addi %get3A_1032, %get3A_1032 : vector<16xi32>
        %add3A_1034 = vector.broadcast %arg0 : i32 to vector<16xi32>
        %add3A_1035 = arith.addi %add3A_1033, %add3A_1034 : vector<16xi32>
        %swap3A_1036 = arith.index_cast %add3A_968 : i32 to index
        %swap3A_1037 = arith.constant 80 : index
        %swap3A_1038 = tpu.vector_load %arg7[%swap3A_1036, %swap3A_1037] {strides = array<i32>} : memref<160x128xi32, #tpu.memory_space<vmem>>, vector<1x16xi32>,
        %swap3A_1039 = vector.shape_cast %swap3A_1038 : vector<1x16xi32> to vector<16xi32>
        %swap3A_1040 = vector.shape_cast %add3A_1035 : vector<16xi32> to vector<1x16xi32>
        tpu.vector_store %arg7[%swap3A_1036, %swap3A_1037], %swap3A_1040 {strides = array<i32>} : memref<160x128xi32, #tpu.memory_space<vmem>>, vector<1x16xi32>,
        %get3A_1041 = arith.index_cast %add3A_968 : i32 to index
        %get3A_1042 = arith.constant 96 : index
        %get3A_1043 = tpu.vector_load %arg7[%get3A_1041, %get3A_1042] {strides = array<i32>} : memref<160x128xi32, #tpu.memory_space<vmem>>, vector<1x16xi32>,
        %get3A_1044 = vector.shape_cast %get3A_1043 : vector<1x16xi32> to vector<16xi32>
        %add3A_1045 = arith.addi %get3A_1044, %get3A_1044 : vector<16xi32>
        %add3A_1046 = vector.broadcast %arg0 : i32 to vector<16xi32>
        %add3A_1047 = arith.addi %add3A_1045, %add3A_1046 : vector<16xi32>
        %swap3A_1048 = arith.index_cast %add3A_968 : i32 to index
        %swap3A_1049 = arith.constant 96 : index
        %swap3A_1050 = tpu.vector_load %arg7[%swap3A_1048, %swap3A_1049] {strides = array<i32>} : memref<160x128xi32, #tpu.memory_space<vmem>>, vector<1x16xi32>,
        %swap3A_1051 = vector.shape_cast %swap3A_1050 : vector<1x16xi32> to vector<16xi32>
        %swap3A_1052 = vector.shape_cast %add3A_1047 : vector<16xi32> to vector<1x16xi32>
        tpu.vector_store %arg7[%swap3A_1048, %swap3A_1049], %swap3A_1052 {strides = array<i32>} : memref<160x128xi32, #tpu.memory_space<vmem>>, vector<1x16xi32>,
        %get3A_1053 = arith.index_cast %add3A_968 : i32 to index
        %get3A_1054 = arith.constant 112 : index
        %get3A_1055 = tpu.vector_load %arg7[%get3A_1053, %get3A_1054] {strides = array<i32>} : memref<160x128xi32, #tpu.memory_space<vmem>>, vector<1x16xi32>,
        %get3A_1056 = vector.shape_cast %get3A_1055 : vector<1x16xi32> to vector<16xi32>
        %add3A_1057 = arith.addi %get3A_1056, %get3A_1056 : vector<16xi32>
        %add3A_1058 = vector.broadcast %arg0 : i32 to vector<16xi32>
        %add3A_1059 = arith.addi %add3A_1057, %add3A_1058 : vector<16xi32>
        %swap3A_1060 = arith.index_cast %add3A_968 : i32 to index
        %swap3A_1061 = arith.constant 112 : index
        %swap3A_1062 = tpu.vector_load %arg7[%swap3A_1060, %swap3A_1061] {strides = array<i32>} : memref<160x128xi32, #tpu.memory_space<vmem>>, vector<1x16xi32>,
        %swap3A_1063 = vector.shape_cast %swap3A_1062 : vector<1x16xi32> to vector<16xi32>
        %swap3A_1064 = vector.shape_cast %add3A_1059 : vector<16xi32> to vector<1x16xi32>
        tpu.vector_store %arg7[%swap3A_1060, %swap3A_1061], %swap3A_1064 {strides = array<i32>} : memref<160x128xi32, #tpu.memory_space<vmem>>, vector<1x16xi32>,
        %add3A_1065 = arith.constant 2 : i32
        %add3A_1066 = arith.addi %add3A_913, %add3A_1065 : i32
        %dma_start3A_1067 = arith.constant 0 : i32
        %dma_start3A_1068 = tpu.memref_slice %arg7[%add3A_1066, %dma_start3A_1067] : memref<160x128xi32, #tpu.memory_space<vmem>> -> memref<1x128xi32, #tpu.memory_space<vmem>>
        %dma_start3A_1069 = tpu.memref_squeeze %dma_start3A_1068 : memref<1x128xi32, #tpu.memory_space<vmem>> -> memref<128xi32, #tpu.memory_space<vmem>>
        %dma_start3A_1070 = arith.constant 0 : i32
        %dma_start3A_1071 = arith.constant 0 : i32
        %dma_start3A_1072 = tpu.memref_slice %arg4[%dma_start3A_1070, %dma_start3A_1071] : memref<20000x64xf32, #tpu.memory_space<hbm>> -> memref<20000x64xf32, #tpu.memory_space<hbm>>
        tpu.enqueue_indirect_dma source(%dma_start3A_1072 : memref<20000x64xf32, #tpu.memory_space<hbm>>) target(%arg8 : memref<128x64xf32, #tpu.memory_space<vmem>>) offsets(%dma_start3A_1069 : memref<128xi32, #tpu.memory_space<vmem>>) semaphore(%arg14 : memref<!tpu.dma_semaphore, #tpu.memory_space<semaphore_mem>>)
      } else {
      }
      %dma_wait3A_925 = arith.constant 0 : i32
      %dma_wait3A_926 = arith.constant 0 : i32
      %dma_wait3A_927 = tpu.memref_slice %arg7[%dma_wait3A_925, %dma_wait3A_926] : memref<160x128xi32, #tpu.memory_space<vmem>> -> memref<1x128xi32, #tpu.memory_space<vmem>>
      %dma_wait3A_928 = tpu.memref_squeeze %dma_wait3A_927 : memref<1x128xi32, #tpu.memory_space<vmem>> -> memref<128xi32, #tpu.memory_space<vmem>>
      %dma_wait3A_929 = arith.constant 0 : i32
      %dma_wait3A_930 = arith.constant 0 : i32
      %dma_wait3A_931 = tpu.memref_slice %arg4[%dma_wait3A_929, %dma_wait3A_930] : memref<20000x64xf32, #tpu.memory_space<hbm>> -> memref<20000x64xf32, #tpu.memory_space<hbm>>
      tpu.wait_indirect_dma semaphore(%arg17 : memref<!tpu.dma_semaphore, #tpu.memory_space<semaphore_mem>>) src(%dma_wait3A_931 : memref<20000x64xf32, #tpu.memory_space<hbm>>) dst(%arg11 : memref<128x64xf32, #tpu.memory_space<vmem>>)
      %dma_start3A_932 = arith.constant 0 : i32
      %dma_start3A_933 = tpu.memref_slice %arg6[%add3A_913, %dma_start3A_932] : memref<160x128xi32, #tpu.memory_space<vmem>> -> memref<1x128xi32, #tpu.memory_space<vmem>>
      %dma_start3A_934 = tpu.memref_squeeze %dma_start3A_933 : memref<1x128xi32, #tpu.memory_space<vmem>> -> memref<128xi32, #tpu.memory_space<vmem>>
      %dma_start3A_935 = arith.constant 0 : i32
      %dma_start3A_936 = arith.constant 0 : i32
      %dma_start3A_937 = tpu.memref_slice %arg13[%dma_start3A_935, %dma_start3A_936] : memref<10240x64xf32, #tpu.memory_space<vmem_shared>> -> memref<10240x64xf32, #tpu.memory_space<vmem_shared>>
      tpu.enqueue_indirect_dma source(%arg11 : memref<128x64xf32, #tpu.memory_space<vmem>>) target(%dma_start3A_937 : memref<10240x64xf32, #tpu.memory_space<vmem_shared>>) offsets(%dma_start3A_934 : memref<128xi32, #tpu.memory_space<vmem>>) semaphore(%arg22 : memref<!tpu.dma_semaphore, #tpu.memory_space<semaphore_mem>>) {add = true}
      %mul3A_938 = arith.constant 5 : i32
      %mul3A_939 = arith.muli %mul3A_938, %scan3A_528 : i32
      %add3A_940 = arith.constant 4 : i32
      %add3A_941 = arith.addi %mul3A_939, %add3A_940 : i32
      %dma_wait3A_942 = arith.constant 0 : i32
      %dma_wait3A_943 = arith.constant 0 : i32
      %dma_wait3A_944 = tpu.memref_slice %arg7[%dma_wait3A_942, %dma_wait3A_943] : memref<160x128xi32, #tpu.memory_space<vmem>> -> memref<1x128xi32, #tpu.memory_space<vmem>>
      %dma_wait3A_945 = tpu.memref_squeeze %dma_wait3A_944 : memref<1x128xi32, #tpu.memory_space<vmem>> -> memref<128xi32, #tpu.memory_space<vmem>>
      %dma_wait3A_946 = arith.constant 0 : i32
      %dma_wait3A_947 = arith.constant 0 : i32
      %dma_wait3A_948 = tpu.memref_slice %arg4[%dma_wait3A_946, %dma_wait3A_947] : memref<20000x64xf32, #tpu.memory_space<hbm>> -> memref<20000x64xf32, #tpu.memory_space<hbm>>
      tpu.wait_indirect_dma semaphore(%arg20 : memref<!tpu.dma_semaphore, #tpu.memory_space<semaphore_mem>>) src(%dma_wait3A_948 : memref<20000x64xf32, #tpu.memory_space<hbm>>) dst(%arg9 : memref<128x64xf32, #tpu.memory_space<vmem>>)
      %lt3A_949 = arith.constant 31 : i32
      %lt3A_950 = arith.cmpi slt, %scan3A_528, %lt3A_949 : i32
      %convert_element_type3A_951 = arith.extui %lt3A_950 : i1 to i32
      %cond3A_952 = arith.constant 0 : i32
      %cond3A_953 = arith.cmpi ne, %convert_element_type3A_951, %cond3A_952 : i32
      scf.if %cond3A_953 {
        %add3A_967 = arith.constant 2 : i32
        %add3A_968 = arith.addi %add3A_941, %add3A_967 : i32
        %get3A_969 = arith.index_cast %add3A_968 : i32 to index
        %get3A_970 = arith.constant 0 : index
        %get3A_971 = tpu.vector_load %arg7[%get3A_969, %get3A_970] {strides = array<i32>} : memref<160x128xi32, #tpu.memory_space<vmem>>, vector<1x16xi32>,
        %get3A_972 = vector.shape_cast %get3A_971 : vector<1x16xi32> to vector<16xi32>
        %add3A_973 = arith.addi %get3A_972, %get3A_972 : vector<16xi32>
        %add3A_974 = vector.broadcast %arg0 : i32 to vector<16xi32>
        %add3A_975 = arith.addi %add3A_973, %add3A_974 : vector<16xi32>
        %swap3A_976 = arith.index_cast %add3A_968 : i32 to index
        %swap3A_977 = arith.constant 0 : index
        %swap3A_978 = tpu.vector_load %arg7[%swap3A_976, %swap3A_977] {strides = array<i32>} : memref<160x128xi32, #tpu.memory_space<vmem>>, vector<1x16xi32>,
        %swap3A_979 = vector.shape_cast %swap3A_978 : vector<1x16xi32> to vector<16xi32>
        %swap3A_980 = vector.shape_cast %add3A_975 : vector<16xi32> to vector<1x16xi32>
        tpu.vector_store %arg7[%swap3A_976, %swap3A_977], %swap3A_980 {strides = array<i32>} : memref<160x128xi32, #tpu.memory_space<vmem>>, vector<1x16xi32>,
        %get3A_981 = arith.index_cast %add3A_968 : i32 to index
        %get3A_982 = arith.constant 16 : index
        %get3A_983 = tpu.vector_load %arg7[%get3A_981, %get3A_982] {strides = array<i32>} : memref<160x128xi32, #tpu.memory_space<vmem>>, vector<1x16xi32>,
        %get3A_984 = vector.shape_cast %get3A_983 : vector<1x16xi32> to vector<16xi32>
        %add3A_985 = arith.addi %get3A_984, %get3A_984 : vector<16xi32>
        %add3A_986 = vector.broadcast %arg0 : i32 to vector<16xi32>
        %add3A_987 = arith.addi %add3A_985, %add3A_986 : vector<16xi32>
        %swap3A_988 = arith.index_cast %add3A_968 : i32 to index
        %swap3A_989 = arith.constant 16 : index
        %swap3A_990 = tpu.vector_load %arg7[%swap3A_988, %swap3A_989] {strides = array<i32>} : memref<160x128xi32, #tpu.memory_space<vmem>>, vector<1x16xi32>,
        %swap3A_991 = vector.shape_cast %swap3A_990 : vector<1x16xi32> to vector<16xi32>
        %swap3A_992 = vector.shape_cast %add3A_987 : vector<16xi32> to vector<1x16xi32>
        tpu.vector_store %arg7[%swap3A_988, %swap3A_989], %swap3A_992 {strides = array<i32>} : memref<160x128xi32, #tpu.memory_space<vmem>>, vector<1x16xi32>,
        %get3A_993 = arith.index_cast %add3A_968 : i32 to index
        %get3A_994 = arith.constant 32 : index
        %get3A_995 = tpu.vector_load %arg7[%get3A_993, %get3A_994] {strides = array<i32>} : memref<160x128xi32, #tpu.memory_space<vmem>>, vector<1x16xi32>,
        %get3A_996 = vector.shape_cast %get3A_995 : vector<1x16xi32> to vector<16xi32>
        %add3A_997 = arith.addi %get3A_996, %get3A_996 : vector<16xi32>
        %add3A_998 = vector.broadcast %arg0 : i32 to vector<16xi32>
        %add3A_999 = arith.addi %add3A_997, %add3A_998 : vector<16xi32>
        %swap3A_1000 = arith.index_cast %add3A_968 : i32 to index
        %swap3A_1001 = arith.constant 32 : index
        %swap3A_1002 = tpu.vector_load %arg7[%swap3A_1000, %swap3A_1001] {strides = array<i32>} : memref<160x128xi32, #tpu.memory_space<vmem>>, vector<1x16xi32>,
        %swap3A_1003 = vector.shape_cast %swap3A_1002 : vector<1x16xi32> to vector<16xi32>
        %swap3A_1004 = vector.shape_cast %add3A_999 : vector<16xi32> to vector<1x16xi32>
        tpu.vector_store %arg7[%swap3A_1000, %swap3A_1001], %swap3A_1004 {strides = array<i32>} : memref<160x128xi32, #tpu.memory_space<vmem>>, vector<1x16xi32>,
        %get3A_1005 = arith.index_cast %add3A_968 : i32 to index
        %get3A_1006 = arith.constant 48 : index
        %get3A_1007 = tpu.vector_load %arg7[%get3A_1005, %get3A_1006] {strides = array<i32>} : memref<160x128xi32, #tpu.memory_space<vmem>>, vector<1x16xi32>,
        %get3A_1008 = vector.shape_cast %get3A_1007 : vector<1x16xi32> to vector<16xi32>
        %add3A_1009 = arith.addi %get3A_1008, %get3A_1008 : vector<16xi32>
        %add3A_1010 = vector.broadcast %arg0 : i32 to vector<16xi32>
        %add3A_1011 = arith.addi %add3A_1009, %add3A_1010 : vector<16xi32>
        %swap3A_1012 = arith.index_cast %add3A_968 : i32 to index
        %swap3A_1013 = arith.constant 48 : index
        %swap3A_1014 = tpu.vector_load %arg7[%swap3A_1012, %swap3A_1013] {strides = array<i32>} : memref<160x128xi32, #tpu.memory_space<vmem>>, vector<1x16xi32>,
        %swap3A_1015 = vector.shape_cast %swap3A_1014 : vector<1x16xi32> to vector<16xi32>
        %swap3A_1016 = vector.shape_cast %add3A_1011 : vector<16xi32> to vector<1x16xi32>
        tpu.vector_store %arg7[%swap3A_1012, %swap3A_1013], %swap3A_1016 {strides = array<i32>} : memref<160x128xi32, #tpu.memory_space<vmem>>, vector<1x16xi32>,
        %get3A_1017 = arith.index_cast %add3A_968 : i32 to index
        %get3A_1018 = arith.constant 64 : index
        %get3A_1019 = tpu.vector_load %arg7[%get3A_1017, %get3A_1018] {strides = array<i32>} : memref<160x128xi32, #tpu.memory_space<vmem>>, vector<1x16xi32>,
        %get3A_1020 = vector.shape_cast %get3A_1019 : vector<1x16xi32> to vector<16xi32>
        %add3A_1021 = arith.addi %get3A_1020, %get3A_1020 : vector<16xi32>
        %add3A_1022 = vector.broadcast %arg0 : i32 to vector<16xi32>
        %add3A_1023 = arith.addi %add3A_1021, %add3A_1022 : vector<16xi32>
        %swap3A_1024 = arith.index_cast %add3A_968 : i32 to index
        %swap3A_1025 = arith.constant 64 : index
        %swap3A_1026 = tpu.vector_load %arg7[%swap3A_1024, %swap3A_1025] {strides = array<i32>} : memref<160x128xi32, #tpu.memory_space<vmem>>, vector<1x16xi32>,
        %swap3A_1027 = vector.shape_cast %swap3A_1026 : vector<1x16xi32> to vector<16xi32>
        %swap3A_1028 = vector.shape_cast %add3A_1023 : vector<16xi32> to vector<1x16xi32>
        tpu.vector_store %arg7[%swap3A_1024, %swap3A_1025], %swap3A_1028 {strides = array<i32>} : memref<160x128xi32, #tpu.memory_space<vmem>>, vector<1x16xi32>,
        %get3A_1029 = arith.index_cast %add3A_968 : i32 to index
        %get3A_1030 = arith.constant 80 : index
        %get3A_1031 = tpu.vector_load %arg7[%get3A_1029, %get3A_1030] {strides = array<i32>} : memref<160x128xi32, #tpu.memory_space<vmem>>, vector<1x16xi32>,
        %get3A_1032 = vector.shape_cast %get3A_1031 : vector<1x16xi32> to vector<16xi32>
        %add3A_1033 = arith.addi %get3A_1032, %get3A_1032 : vector<16xi32>
        %add3A_1034 = vector.broadcast %arg0 : i32 to vector<16xi32>
        %add3A_1035 = arith.addi %add3A_1033, %add3A_1034 : vector<16xi32>
        %swap3A_1036 = arith.index_cast %add3A_968 : i32 to index
        %swap3A_1037 = arith.constant 80 : index
        %swap3A_1038 = tpu.vector_load %arg7[%swap3A_1036, %swap3A_1037] {strides = array<i32>} : memref<160x128xi32, #tpu.memory_space<vmem>>, vector<1x16xi32>,
        %swap3A_1039 = vector.shape_cast %swap3A_1038 : vector<1x16xi32> to vector<16xi32>
        %swap3A_1040 = vector.shape_cast %add3A_1035 : vector<16xi32> to vector<1x16xi32>
        tpu.vector_store %arg7[%swap3A_1036, %swap3A_1037], %swap3A_1040 {strides = array<i32>} : memref<160x128xi32, #tpu.memory_space<vmem>>, vector<1x16xi32>,
        %get3A_1041 = arith.index_cast %add3A_968 : i32 to index
        %get3A_1042 = arith.constant 96 : index
        %get3A_1043 = tpu.vector_load %arg7[%get3A_1041, %get3A_1042] {strides = array<i32>} : memref<160x128xi32, #tpu.memory_space<vmem>>, vector<1x16xi32>,
        %get3A_1044 = vector.shape_cast %get3A_1043 : vector<1x16xi32> to vector<16xi32>
        %add3A_1045 = arith.addi %get3A_1044, %get3A_1044 : vector<16xi32>
        %add3A_1046 = vector.broadcast %arg0 : i32 to vector<16xi32>
        %add3A_1047 = arith.addi %add3A_1045, %add3A_1046 : vector<16xi32>
        %swap3A_1048 = arith.index_cast %add3A_968 : i32 to index
        %swap3A_1049 = arith.constant 96 : index
        %swap3A_1050 = tpu.vector_load %arg7[%swap3A_1048, %swap3A_1049] {strides = array<i32>} : memref<160x128xi32, #tpu.memory_space<vmem>>, vector<1x16xi32>,
        %swap3A_1051 = vector.shape_cast %swap3A_1050 : vector<1x16xi32> to vector<16xi32>
        %swap3A_1052 = vector.shape_cast %add3A_1047 : vector<16xi32> to vector<1x16xi32>
        tpu.vector_store %arg7[%swap3A_1048, %swap3A_1049], %swap3A_1052 {strides = array<i32>} : memref<160x128xi32, #tpu.memory_space<vmem>>, vector<1x16xi32>,
        %get3A_1053 = arith.index_cast %add3A_968 : i32 to index
        %get3A_1054 = arith.constant 112 : index
        %get3A_1055 = tpu.vector_load %arg7[%get3A_1053, %get3A_1054] {strides = array<i32>} : memref<160x128xi32, #tpu.memory_space<vmem>>, vector<1x16xi32>,
        %get3A_1056 = vector.shape_cast %get3A_1055 : vector<1x16xi32> to vector<16xi32>
        %add3A_1057 = arith.addi %get3A_1056, %get3A_1056 : vector<16xi32>
        %add3A_1058 = vector.broadcast %arg0 : i32 to vector<16xi32>
        %add3A_1059 = arith.addi %add3A_1057, %add3A_1058 : vector<16xi32>
        %swap3A_1060 = arith.index_cast %add3A_968 : i32 to index
        %swap3A_1061 = arith.constant 112 : index
        %swap3A_1062 = tpu.vector_load %arg7[%swap3A_1060, %swap3A_1061] {strides = array<i32>} : memref<160x128xi32, #tpu.memory_space<vmem>>, vector<1x16xi32>,
        %swap3A_1063 = vector.shape_cast %swap3A_1062 : vector<1x16xi32> to vector<16xi32>
        %swap3A_1064 = vector.shape_cast %add3A_1059 : vector<16xi32> to vector<1x16xi32>
        tpu.vector_store %arg7[%swap3A_1060, %swap3A_1061], %swap3A_1064 {strides = array<i32>} : memref<160x128xi32, #tpu.memory_space<vmem>>, vector<1x16xi32>,
        %add3A_1065 = arith.constant 2 : i32
        %add3A_1066 = arith.addi %add3A_941, %add3A_1065 : i32
        %dma_start3A_1067 = arith.constant 0 : i32
        %dma_start3A_1068 = tpu.memref_slice %arg7[%add3A_1066, %dma_start3A_1067] : memref<160x128xi32, #tpu.memory_space<vmem>> -> memref<1x128xi32, #tpu.memory_space<vmem>>
        %dma_start3A_1069 = tpu.memref_squeeze %dma_start3A_1068 : memref<1x128xi32, #tpu.memory_space<vmem>> -> memref<128xi32, #tpu.memory_space<vmem>>
        %dma_start3A_1070 = arith.constant 0 : i32
        %dma_start3A_1071 = arith.constant 0 : i32
        %dma_start3A_1072 = tpu.memref_slice %arg4[%dma_start3A_1070, %dma_start3A_1071] : memref<20000x64xf32, #tpu.memory_space<hbm>> -> memref<20000x64xf32, #tpu.memory_space<hbm>>
        tpu.enqueue_indirect_dma source(%dma_start3A_1072 : memref<20000x64xf32, #tpu.memory_space<hbm>>) target(%arg9 : memref<128x64xf32, #tpu.memory_space<vmem>>) offsets(%dma_start3A_1069 : memref<128xi32, #tpu.memory_space<vmem>>) semaphore(%arg15 : memref<!tpu.dma_semaphore, #tpu.memory_space<semaphore_mem>>)
      } else {
      }
      %dma_wait3A_954 = arith.constant 0 : i32
      %dma_wait3A_955 = arith.constant 0 : i32
      %dma_wait3A_956 = tpu.memref_slice %arg7[%dma_wait3A_954, %dma_wait3A_955] : memref<160x128xi32, #tpu.memory_space<vmem>> -> memref<1x128xi32, #tpu.memory_space<vmem>>
      %dma_wait3A_957 = tpu.memref_squeeze %dma_wait3A_956 : memref<1x128xi32, #tpu.memory_space<vmem>> -> memref<128xi32, #tpu.memory_space<vmem>>
      %dma_wait3A_958 = arith.constant 0 : i32
      %dma_wait3A_959 = arith.constant 0 : i32
      %dma_wait3A_960 = tpu.memref_slice %arg4[%dma_wait3A_958, %dma_wait3A_959] : memref<20000x64xf32, #tpu.memory_space<hbm>> -> memref<20000x64xf32, #tpu.memory_space<hbm>>
      tpu.wait_indirect_dma semaphore(%arg18 : memref<!tpu.dma_semaphore, #tpu.memory_space<semaphore_mem>>) src(%dma_wait3A_960 : memref<20000x64xf32, #tpu.memory_space<hbm>>) dst(%arg12 : memref<128x64xf32, #tpu.memory_space<vmem>>)
      %dma_start3A_961 = arith.constant 0 : i32
      %dma_start3A_962 = tpu.memref_slice %arg6[%add3A_941, %dma_start3A_961] : memref<160x128xi32, #tpu.memory_space<vmem>> -> memref<1x128xi32, #tpu.memory_space<vmem>>
      %dma_start3A_963 = tpu.memref_squeeze %dma_start3A_962 : memref<1x128xi32, #tpu.memory_space<vmem>> -> memref<128xi32, #tpu.memory_space<vmem>>
      %dma_start3A_964 = arith.constant 0 : i32
      %dma_start3A_965 = arith.constant 0 : i32
      %dma_start3A_966 = tpu.memref_slice %arg13[%dma_start3A_964, %dma_start3A_965] : memref<10240x64xf32, #tpu.memory_space<vmem_shared>> -> memref<10240x64xf32, #tpu.memory_space<vmem_shared>>
      tpu.enqueue_indirect_dma source(%arg12 : memref<128x64xf32, #tpu.memory_space<vmem>>) target(%dma_start3A_966 : memref<10240x64xf32, #tpu.memory_space<vmem_shared>>) offsets(%dma_start3A_963 : memref<128xi32, #tpu.memory_space<vmem>>) semaphore(%arg23 : memref<!tpu.dma_semaphore, #tpu.memory_space<semaphore_mem>>) {add = true}
    }
    %scan3A_345 = arith.constant 32 : i32
    %dma_wait3A_346 = arith.constant 0 : i32
    %dma_wait3A_347 = arith.constant 0 : i32
    %dma_wait3A_348 = tpu.memref_slice %arg7[%dma_wait3A_346, %dma_wait3A_347] : memref<160x128xi32, #tpu.memory_space<vmem>> -> memref<1x128xi32, #tpu.memory_space<vmem>>
    %dma_wait3A_349 = tpu.memref_squeeze %dma_wait3A_348 : memref<1x128xi32, #tpu.memory_space<vmem>> -> memref<128xi32, #tpu.memory_space<vmem>>
    %dma_wait3A_350 = arith.constant 0 : i32
    %dma_wait3A_351 = arith.constant 0 : i32
    %dma_wait3A_352 = tpu.memref_slice %arg4[%dma_wait3A_350, %dma_wait3A_351] : memref<20000x64xf32, #tpu.memory_space<hbm>> -> memref<20000x64xf32, #tpu.memory_space<hbm>>
    tpu.wait_indirect_dma semaphore(%arg21 : memref<!tpu.dma_semaphore, #tpu.memory_space<semaphore_mem>>) src(%dma_wait3A_352 : memref<20000x64xf32, #tpu.memory_space<hbm>>) dst(%arg10 : memref<128x64xf32, #tpu.memory_space<vmem>>)
    %dma_wait3A_353 = arith.constant 0 : i32
    %dma_wait3A_354 = arith.constant 0 : i32
    %dma_wait3A_355 = tpu.memref_slice %arg7[%dma_wait3A_353, %dma_wait3A_354] : memref<160x128xi32, #tpu.memory_space<vmem>> -> memref<1x128xi32, #tpu.memory_space<vmem>>
    %dma_wait3A_356 = tpu.memref_squeeze %dma_wait3A_355 : memref<1x128xi32, #tpu.memory_space<vmem>> -> memref<128xi32, #tpu.memory_space<vmem>>
    %dma_wait3A_357 = arith.constant 0 : i32
    %dma_wait3A_358 = arith.constant 0 : i32
    %dma_wait3A_359 = tpu.memref_slice %arg4[%dma_wait3A_357, %dma_wait3A_358] : memref<20000x64xf32, #tpu.memory_space<hbm>> -> memref<20000x64xf32, #tpu.memory_space<hbm>>
    tpu.wait_indirect_dma semaphore(%arg22 : memref<!tpu.dma_semaphore, #tpu.memory_space<semaphore_mem>>) src(%dma_wait3A_359 : memref<20000x64xf32, #tpu.memory_space<hbm>>) dst(%arg11 : memref<128x64xf32, #tpu.memory_space<vmem>>)
    %dma_wait3A_360 = arith.constant 0 : i32
    %dma_wait3A_361 = arith.constant 0 : i32
    %dma_wait3A_362 = tpu.memref_slice %arg7[%dma_wait3A_360, %dma_wait3A_361] : memref<160x128xi32, #tpu.memory_space<vmem>> -> memref<1x128xi32, #tpu.memory_space<vmem>>
    %dma_wait3A_363 = tpu.memref_squeeze %dma_wait3A_362 : memref<1x128xi32, #tpu.memory_space<vmem>> -> memref<128xi32, #tpu.memory_space<vmem>>
    %dma_wait3A_364 = arith.constant 0 : i32
    %dma_wait3A_365 = arith.constant 0 : i32
    %dma_wait3A_366 = tpu.memref_slice %arg4[%dma_wait3A_364, %dma_wait3A_365] : memref<20000x64xf32, #tpu.memory_space<hbm>> -> memref<20000x64xf32, #tpu.memory_space<hbm>>
    tpu.wait_indirect_dma semaphore(%arg23 : memref<!tpu.dma_semaphore, #tpu.memory_space<semaphore_mem>>) src(%dma_wait3A_366 : memref<20000x64xf32, #tpu.memory_space<hbm>>) dst(%arg12 : memref<128x64xf32, #tpu.memory_space<vmem>>)
    %barrier3A_367 = arith.constant 0 : index
    tpu.barrier barrier_id(%barrier3A_367)
    %mul3A_368 = arith.constant 640 : i32
    %mul3A_369 = arith.muli %arg1, %mul3A_368 : i32
    %add3A_370 = arith.constant 0 : i32
    %add3A_371 = arith.addi %mul3A_369, %add3A_370 : i32
    %dma_start3A_372 = arith.constant 0 : i32
    %dma_start3A_373 = tpu.memref_slice %arg13[%add3A_371, %dma_start3A_372] : memref<10240x64xf32, #tpu.memory_space<vmem_shared>> -> memref<128x64xf32, #tpu.memory_space<vmem_shared>>
    %dma_start3A_374 = arith.constant 0 : i32
    %dma_start3A_375 = tpu.memref_slice %arg13[%add3A_371, %dma_start3A_374] : memref<10240x64xf32, #tpu.memory_space<vmem_shared>> -> memref<128x64xf32, #tpu.memory_space<vmem_shared>>
    tpu.enqueue_dma source(%dma_start3A_375 : memref<128x64xf32, #tpu.memory_space<vmem_shared>>) target(%arg8 : memref<128x64xf32, #tpu.memory_space<vmem>>) target_semaphore(%arg14 : memref<!tpu.dma_semaphore, #tpu.memory_space<semaphore_mem>>)
    %mul3A_376 = arith.constant 640 : i32
    %mul3A_377 = arith.muli %arg1, %mul3A_376 : i32
    %add3A_378 = arith.constant 0 : i32
    %add3A_379 = arith.addi %mul3A_377, %add3A_378 : i32
    %dma_wait3A_380 = arith.constant 0 : i32
    %dma_wait3A_381 = tpu.memref_slice %arg13[%add3A_379, %dma_wait3A_380] : memref<10240x64xf32, #tpu.memory_space<vmem_shared>> -> memref<128x64xf32, #tpu.memory_space<vmem_shared>>
    %dma_wait3A_382 = arith.constant 0 : i32
    %dma_wait3A_383 = tpu.memref_slice %arg13[%add3A_379, %dma_wait3A_382] : memref<10240x64xf32, #tpu.memory_space<vmem_shared>> -> memref<128x64xf32, #tpu.memory_space<vmem_shared>>
    tpu.wait_dma2 semaphore(%arg14 : memref<!tpu.dma_semaphore, #tpu.memory_space<semaphore_mem>>) src(%dma_wait3A_383 : memref<128x64xf32, #tpu.memory_space<vmem_shared>>) dst(%arg8 : memref<128x64xf32, #tpu.memory_space<vmem>>)
    %mul3A_384 = arith.constant 640 : i32
    %mul3A_385 = arith.muli %arg1, %mul3A_384 : i32
    %add3A_386 = arith.constant 128 : i32
    %add3A_387 = arith.addi %mul3A_385, %add3A_386 : i32
    %dma_start3A_388 = arith.constant 0 : i32
    %dma_start3A_389 = tpu.memref_slice %arg13[%add3A_387, %dma_start3A_388] : memref<10240x64xf32, #tpu.memory_space<vmem_shared>> -> memref<128x64xf32, #tpu.memory_space<vmem_shared>>
    %dma_start3A_390 = arith.constant 0 : i32
    %dma_start3A_391 = tpu.memref_slice %arg13[%add3A_387, %dma_start3A_390] : memref<10240x64xf32, #tpu.memory_space<vmem_shared>> -> memref<128x64xf32, #tpu.memory_space<vmem_shared>>
    tpu.enqueue_dma source(%dma_start3A_391 : memref<128x64xf32, #tpu.memory_space<vmem_shared>>) target(%arg9 : memref<128x64xf32, #tpu.memory_space<vmem>>) target_semaphore(%arg15 : memref<!tpu.dma_semaphore, #tpu.memory_space<semaphore_mem>>)
    %mul3A_392 = arith.constant 640 : i32
    %mul3A_393 = arith.muli %arg1, %mul3A_392 : i32
    %add3A_394 = arith.constant 0 : i32
    %add3A_395 = arith.addi %mul3A_393, %add3A_394 : i32
    %mul3A_396 = arith.constant 64 : i32
    %mul3A_397 = arith.muli %arg0, %mul3A_396 : i32
    %dma_start3A_398 = tpu.memref_slice %arg5[%add3A_395, %mul3A_397] : memref<10240x128xf32, #tpu.memory_space<hbm>> -> memref<128x64xf32, #tpu.memory_space<hbm>>
    %dma_start3A_399 = tpu.memref_slice %arg5[%add3A_395, %mul3A_397] : memref<10240x128xf32, #tpu.memory_space<hbm>> -> memref<128x64xf32, #tpu.memory_space<hbm>>
    tpu.enqueue_dma source(%arg8 : memref<128x64xf32, #tpu.memory_space<vmem>>) target(%dma_start3A_399 : memref<128x64xf32, #tpu.memory_space<hbm>>) target_semaphore(%arg19 : memref<!tpu.dma_semaphore, #tpu.memory_space<semaphore_mem>>)
    %mul3A_400 = arith.constant 640 : i32
    %mul3A_401 = arith.muli %arg1, %mul3A_400 : i32
    %add3A_402 = arith.constant 128 : i32
    %add3A_403 = arith.addi %mul3A_401, %add3A_402 : i32
    %dma_wait3A_404 = arith.constant 0 : i32
    %dma_wait3A_405 = tpu.memref_slice %arg13[%add3A_403, %dma_wait3A_404] : memref<10240x64xf32, #tpu.memory_space<vmem_shared>> -> memref<128x64xf32, #tpu.memory_space<vmem_shared>>
    %dma_wait3A_406 = arith.constant 0 : i32
    %dma_wait3A_407 = tpu.memref_slice %arg13[%add3A_403, %dma_wait3A_406] : memref<10240x64xf32, #tpu.memory_space<vmem_shared>> -> memref<128x64xf32, #tpu.memory_space<vmem_shared>>
    tpu.wait_dma2 semaphore(%arg15 : memref<!tpu.dma_semaphore, #tpu.memory_space<semaphore_mem>>) src(%dma_wait3A_407 : memref<128x64xf32, #tpu.memory_space<vmem_shared>>) dst(%arg9 : memref<128x64xf32, #tpu.memory_space<vmem>>)
    %mul3A_408 = arith.constant 640 : i32
    %mul3A_409 = arith.muli %arg1, %mul3A_408 : i32
    %add3A_410 = arith.constant 0 : i32
    %add3A_411 = arith.addi %mul3A_409, %add3A_410 : i32
    %mul3A_412 = arith.constant 64 : i32
    %mul3A_413 = arith.muli %arg0, %mul3A_412 : i32
    %dma_wait3A_414 = tpu.memref_slice %arg5[%add3A_411, %mul3A_413] : memref<10240x128xf32, #tpu.memory_space<hbm>> -> memref<128x64xf32, #tpu.memory_space<hbm>>
    %dma_wait3A_415 = tpu.memref_slice %arg5[%add3A_411, %mul3A_413] : memref<10240x128xf32, #tpu.memory_space<hbm>> -> memref<128x64xf32, #tpu.memory_space<hbm>>
    tpu.wait_dma2 semaphore(%arg19 : memref<!tpu.dma_semaphore, #tpu.memory_space<semaphore_mem>>) src(%arg8 : memref<128x64xf32, #tpu.memory_space<vmem>>) dst(%dma_wait3A_415 : memref<128x64xf32, #tpu.memory_space<hbm>>)
    %mul3A_416 = arith.constant 640 : i32
    %mul3A_417 = arith.muli %arg1, %mul3A_416 : i32
    %add3A_418 = arith.constant 256 : i32
    %add3A_419 = arith.addi %mul3A_417, %add3A_418 : i32
    %dma_start3A_420 = arith.constant 0 : i32
    %dma_start3A_421 = tpu.memref_slice %arg13[%add3A_419, %dma_start3A_420] : memref<10240x64xf32, #tpu.memory_space<vmem_shared>> -> memref<128x64xf32, #tpu.memory_space<vmem_shared>>
    %dma_start3A_422 = arith.constant 0 : i32
    %dma_start3A_423 = tpu.memref_slice %arg13[%add3A_419, %dma_start3A_422] : memref<10240x64xf32, #tpu.memory_space<vmem_shared>> -> memref<128x64xf32, #tpu.memory_space<vmem_shared>>
    tpu.enqueue_dma source(%dma_start3A_423 : memref<128x64xf32, #tpu.memory_space<vmem_shared>>) target(%arg8 : memref<128x64xf32, #tpu.memory_space<vmem>>) target_semaphore(%arg14 : memref<!tpu.dma_semaphore, #tpu.memory_space<semaphore_mem>>)
    %mul3A_424 = arith.constant 640 : i32
    %mul3A_425 = arith.muli %arg1, %mul3A_424 : i32
    %add3A_426 = arith.constant 128 : i32
    %add3A_427 = arith.addi %mul3A_425, %add3A_426 : i32
    %mul3A_428 = arith.constant 64 : i32
    %mul3A_429 = arith.muli %arg0, %mul3A_428 : i32
    %dma_start3A_430 = tpu.memref_slice %arg5[%add3A_427, %mul3A_429] : memref<10240x128xf32, #tpu.memory_space<hbm>> -> memref<128x64xf32, #tpu.memory_space<hbm>>
    %dma_start3A_431 = tpu.memref_slice %arg5[%add3A_427, %mul3A_429] : memref<10240x128xf32, #tpu.memory_space<hbm>> -> memref<128x64xf32, #tpu.memory_space<hbm>>
    tpu.enqueue_dma source(%arg9 : memref<128x64xf32, #tpu.memory_space<vmem>>) target(%dma_start3A_431 : memref<128x64xf32, #tpu.memory_space<hbm>>) target_semaphore(%arg20 : memref<!tpu.dma_semaphore, #tpu.memory_space<semaphore_mem>>)
    %mul3A_432 = arith.constant 640 : i32
    %mul3A_433 = arith.muli %arg1, %mul3A_432 : i32
    %add3A_434 = arith.constant 256 : i32
    %add3A_435 = arith.addi %mul3A_433, %add3A_434 : i32
    %dma_wait3A_436 = arith.constant 0 : i32
    %dma_wait3A_437 = tpu.memref_slice %arg13[%add3A_435, %dma_wait3A_436] : memref<10240x64xf32, #tpu.memory_space<vmem_shared>> -> memref<128x64xf32, #tpu.memory_space<vmem_shared>>
    %dma_wait3A_438 = arith.constant 0 : i32
    %dma_wait3A_439 = tpu.memref_slice %arg13[%add3A_435, %dma_wait3A_438] : memref<10240x64xf32, #tpu.memory_space<vmem_shared>> -> memref<128x64xf32, #tpu.memory_space<vmem_shared>>
    tpu.wait_dma2 semaphore(%arg14 : memref<!tpu.dma_semaphore, #tpu.memory_space<semaphore_mem>>) src(%dma_wait3A_439 : memref<128x64xf32, #tpu.memory_space<vmem_shared>>) dst(%arg8 : memref<128x64xf32, #tpu.memory_space<vmem>>)
    %mul3A_440 = arith.constant 640 : i32
    %mul3A_441 = arith.muli %arg1, %mul3A_440 : i32
    %add3A_442 = arith.constant 128 : i32
    %add3A_443 = arith.addi %mul3A_441, %add3A_442 : i32
    %mul3A_444 = arith.constant 64 : i32
    %mul3A_445 = arith.muli %arg0, %mul3A_444 : i32
    %dma_wait3A_446 = tpu.memref_slice %arg5[%add3A_443, %mul3A_445] : memref<10240x128xf32, #tpu.memory_space<hbm>> -> memref<128x64xf32, #tpu.memory_space<hbm>>
    %dma_wait3A_447 = tpu.memref_slice %arg5[%add3A_443, %mul3A_445] : memref<10240x128xf32, #tpu.memory_space<hbm>> -> memref<128x64xf32, #tpu.memory_space<hbm>>
    tpu.wait_dma2 semaphore(%arg20 : memref<!tpu.dma_semaphore, #tpu.memory_space<semaphore_mem>>) src(%arg9 : memref<128x64xf32, #tpu.memory_space<vmem>>) dst(%dma_wait3A_447 : memref<128x64xf32, #tpu.memory_space<hbm>>)
    %mul3A_448 = arith.constant 640 : i32
    %mul3A_449 = arith.muli %arg1, %mul3A_448 : i32
    %add3A_450 = arith.constant 384 : i32
    %add3A_451 = arith.addi %mul3A_449, %add3A_450 : i32
    %dma_start3A_452 = arith.constant 0 : i32
    %dma_start3A_453 = tpu.memref_slice %arg13[%add3A_451, %dma_start3A_452] : memref<10240x64xf32, #tpu.memory_space<vmem_shared>> -> memref<128x64xf32, #tpu.memory_space<vmem_shared>>
    %dma_start3A_454 = arith.constant 0 : i32
    %dma_start3A_455 = tpu.memref_slice %arg13[%add3A_451, %dma_start3A_454] : memref<10240x64xf32, #tpu.memory_space<vmem_shared>> -> memref<128x64xf32, #tpu.memory_space<vmem_shared>>
    tpu.enqueue_dma source(%dma_start3A_455 : memref<128x64xf32, #tpu.memory_space<vmem_shared>>) target(%arg9 : memref<128x64xf32, #tpu.memory_space<vmem>>) target_semaphore(%arg15 : memref<!tpu.dma_semaphore, #tpu.memory_space<semaphore_mem>>)
    %mul3A_456 = arith.constant 640 : i32
    %mul3A_457 = arith.muli %arg1, %mul3A_456 : i32
    %add3A_458 = arith.constant 256 : i32
    %add3A_459 = arith.addi %mul3A_457, %add3A_458 : i32
    %mul3A_460 = arith.constant 64 : i32
    %mul3A_461 = arith.muli %arg0, %mul3A_460 : i32
    %dma_start3A_462 = tpu.memref_slice %arg5[%add3A_459, %mul3A_461] : memref<10240x128xf32, #tpu.memory_space<hbm>> -> memref<128x64xf32, #tpu.memory_space<hbm>>
    %dma_start3A_463 = tpu.memref_slice %arg5[%add3A_459, %mul3A_461] : memref<10240x128xf32, #tpu.memory_space<hbm>> -> memref<128x64xf32, #tpu.memory_space<hbm>>
    tpu.enqueue_dma source(%arg8 : memref<128x64xf32, #tpu.memory_space<vmem>>) target(%dma_start3A_463 : memref<128x64xf32, #tpu.memory_space<hbm>>) target_semaphore(%arg19 : memref<!tpu.dma_semaphore, #tpu.memory_space<semaphore_mem>>)
    %mul3A_464 = arith.constant 640 : i32
    %mul3A_465 = arith.muli %arg1, %mul3A_464 : i32
    %add3A_466 = arith.constant 384 : i32
    %add3A_467 = arith.addi %mul3A_465, %add3A_466 : i32
    %dma_wait3A_468 = arith.constant 0 : i32
    %dma_wait3A_469 = tpu.memref_slice %arg13[%add3A_467, %dma_wait3A_468] : memref<10240x64xf32, #tpu.memory_space<vmem_shared>> -> memref<128x64xf32, #tpu.memory_space<vmem_shared>>
    %dma_wait3A_470 = arith.constant 0 : i32
    %dma_wait3A_471 = tpu.memref_slice %arg13[%add3A_467, %dma_wait3A_470] : memref<10240x64xf32, #tpu.memory_space<vmem_shared>> -> memref<128x64xf32, #tpu.memory_space<vmem_shared>>
    tpu.wait_dma2 semaphore(%arg15 : memref<!tpu.dma_semaphore, #tpu.memory_space<semaphore_mem>>) src(%dma_wait3A_471 : memref<128x64xf32, #tpu.memory_space<vmem_shared>>) dst(%arg9 : memref<128x64xf32, #tpu.memory_space<vmem>>)
    %mul3A_472 = arith.constant 640 : i32
    %mul3A_473 = arith.muli %arg1, %mul3A_472 : i32
    %add3A_474 = arith.constant 256 : i32
    %add3A_475 = arith.addi %mul3A_473, %add3A_474 : i32
    %mul3A_476 = arith.constant 64 : i32
    %mul3A_477 = arith.muli %arg0, %mul3A_476 : i32
    %dma_wait3A_478 = tpu.memref_slice %arg5[%add3A_475, %mul3A_477] : memref<10240x128xf32, #tpu.memory_space<hbm>> -> memref<128x64xf32, #tpu.memory_space<hbm>>
    %dma_wait3A_479 = tpu.memref_slice %arg5[%add3A_475, %mul3A_477] : memref<10240x128xf32, #tpu.memory_space<hbm>> -> memref<128x64xf32, #tpu.memory_space<hbm>>
    tpu.wait_dma2 semaphore(%arg19 : memref<!tpu.dma_semaphore, #tpu.memory_space<semaphore_mem>>) src(%arg8 : memref<128x64xf32, #tpu.memory_space<vmem>>) dst(%dma_wait3A_479 : memref<128x64xf32, #tpu.memory_space<hbm>>)
    %mul3A_480 = arith.constant 640 : i32
    %mul3A_481 = arith.muli %arg1, %mul3A_480 : i32
    %add3A_482 = arith.constant 512 : i32
    %add3A_483 = arith.addi %mul3A_481, %add3A_482 : i32
    %dma_start3A_484 = arith.constant 0 : i32
    %dma_start3A_485 = tpu.memref_slice %arg13[%add3A_483, %dma_start3A_484] : memref<10240x64xf32, #tpu.memory_space<vmem_shared>> -> memref<128x64xf32, #tpu.memory_space<vmem_shared>>
    %dma_start3A_486 = arith.constant 0 : i32
    %dma_start3A_487 = tpu.memref_slice %arg13[%add3A_483, %dma_start3A_486] : memref<10240x64xf32, #tpu.memory_space<vmem_shared>> -> memref<128x64xf32, #tpu.memory_space<vmem_shared>>
    tpu.enqueue_dma source(%dma_start3A_487 : memref<128x64xf32, #tpu.memory_space<vmem_shared>>) target(%arg8 : memref<128x64xf32, #tpu.memory_space<vmem>>) target_semaphore(%arg14 : memref<!tpu.dma_semaphore, #tpu.memory_space<semaphore_mem>>)
    %mul3A_488 = arith.constant 640 : i32
    %mul3A_489 = arith.muli %arg1, %mul3A_488 : i32
    %add3A_490 = arith.constant 384 : i32
    %add3A_491 = arith.addi %mul3A_489, %add3A_490 : i32
    %mul3A_492 = arith.constant 64 : i32
    %mul3A_493 = arith.muli %arg0, %mul3A_492 : i32
    %dma_start3A_494 = tpu.memref_slice %arg5[%add3A_491, %mul3A_493] : memref<10240x128xf32, #tpu.memory_space<hbm>> -> memref<128x64xf32, #tpu.memory_space<hbm>>
    %dma_start3A_495 = tpu.memref_slice %arg5[%add3A_491, %mul3A_493] : memref<10240x128xf32, #tpu.memory_space<hbm>> -> memref<128x64xf32, #tpu.memory_space<hbm>>
    tpu.enqueue_dma source(%arg9 : memref<128x64xf32, #tpu.memory_space<vmem>>) target(%dma_start3A_495 : memref<128x64xf32, #tpu.memory_space<hbm>>) target_semaphore(%arg20 : memref<!tpu.dma_semaphore, #tpu.memory_space<semaphore_mem>>)
    %mul3A_496 = arith.constant 640 : i32
    %mul3A_497 = arith.muli %arg1, %mul3A_496 : i32
    %add3A_498 = arith.constant 512 : i32
    %add3A_499 = arith.addi %mul3A_497, %add3A_498 : i32
    %dma_wait3A_500 = arith.constant 0 : i32
    %dma_wait3A_501 = tpu.memref_slice %arg13[%add3A_499, %dma_wait3A_500] : memref<10240x64xf32, #tpu.memory_space<vmem_shared>> -> memref<128x64xf32, #tpu.memory_space<vmem_shared>>
    %dma_wait3A_502 = arith.constant 0 : i32
    %dma_wait3A_503 = tpu.memref_slice %arg13[%add3A_499, %dma_wait3A_502] : memref<10240x64xf32, #tpu.memory_space<vmem_shared>> -> memref<128x64xf32, #tpu.memory_space<vmem_shared>>
    tpu.wait_dma2 semaphore(%arg14 : memref<!tpu.dma_semaphore, #tpu.memory_space<semaphore_mem>>) src(%dma_wait3A_503 : memref<128x64xf32, #tpu.memory_space<vmem_shared>>) dst(%arg8 : memref<128x64xf32, #tpu.memory_space<vmem>>)
    %mul3A_504 = arith.constant 640 : i32
    %mul3A_505 = arith.muli %arg1, %mul3A_504 : i32
    %add3A_506 = arith.constant 384 : i32
    %add3A_507 = arith.addi %mul3A_505, %add3A_506 : i32
    %mul3A_508 = arith.constant 64 : i32
    %mul3A_509 = arith.muli %arg0, %mul3A_508 : i32
    %dma_wait3A_510 = tpu.memref_slice %arg5[%add3A_507, %mul3A_509] : memref<10240x128xf32, #tpu.memory_space<hbm>> -> memref<128x64xf32, #tpu.memory_space<hbm>>
    %dma_wait3A_511 = tpu.memref_slice %arg5[%add3A_507, %mul3A_509] : memref<10240x128xf32, #tpu.memory_space<hbm>> -> memref<128x64xf32, #tpu.memory_space<hbm>>
    tpu.wait_dma2 semaphore(%arg20 : memref<!tpu.dma_semaphore, #tpu.memory_space<semaphore_mem>>) src(%arg9 : memref<128x64xf32, #tpu.memory_space<vmem>>) dst(%dma_wait3A_511 : memref<128x64xf32, #tpu.memory_space<hbm>>)
    %mul3A_512 = arith.constant 640 : i32
    %mul3A_513 = arith.muli %arg1, %mul3A_512 : i32
    %add3A_514 = arith.constant 512 : i32
    %add3A_515 = arith.addi %mul3A_513, %add3A_514 : i32
    %mul3A_516 = arith.constant 64 : i32
    %mul3A_517 = arith.muli %arg0, %mul3A_516 : i32
    %dma_start3A_518 = tpu.memref_slice %arg5[%add3A_515, %mul3A_517] : memref<10240x128xf32, #tpu.memory_space<hbm>> -> memref<128x64xf32, #tpu.memory_space<hbm>>
    %dma_start3A_519 = tpu.memref_slice %arg5[%add3A_515, %mul3A_517] : memref<10240x128xf32, #tpu.memory_space<hbm>> -> memref<128x64xf32, #tpu.memory_space<hbm>>
    tpu.enqueue_dma source(%arg8 : memref<128x64xf32, #tpu.memory_space<vmem>>) target(%dma_start3A_519 : memref<128x64xf32, #tpu.memory_space<hbm>>) target_semaphore(%arg19 : memref<!tpu.dma_semaphore, #tpu.memory_space<semaphore_mem>>)
    %mul3A_520 = arith.constant 640 : i32
    %mul3A_521 = arith.muli %arg1, %mul3A_520 : i32
    %add3A_522 = arith.constant 512 : i32
    %add3A_523 = arith.addi %mul3A_521, %add3A_522 : i32
    %mul3A_524 = arith.constant 64 : i32
    %mul3A_525 = arith.muli %arg0, %mul3A_524 : i32
    %dma_wait3A_526 = tpu.memref_slice %arg5[%add3A_523, %mul3A_525] : memref<10240x128xf32, #tpu.memory_space<hbm>> -> memref<128x64xf32, #tpu.memory_space<hbm>>
    %dma_wait3A_527 = tpu.memref_slice %arg5[%add3A_523, %mul3A_525] : memref<10240x128xf32, #tpu.memory_space<hbm>> -> memref<128x64xf32, #tpu.memory_space<hbm>>
    tpu.wait_dma2 semaphore(%arg19 : memref<!tpu.dma_semaphore, #tpu.memory_space<semaphore_mem>>) src(%arg8 : memref<128x64xf32, #tpu.memory_space<vmem>>) dst(%dma_wait3A_527 : memref<128x64xf32, #tpu.memory_space<hbm>>)
    return
  }
}

module attributes {stable_mosaic.version = 14 : i64} {
  func.func @_mm_body(%arg0: i32, %arg1: memref<2000x128xf32, #tpu.memory_space<vmem>>, %arg2: memref<128x128xf32, #tpu.memory_space<vmem>>, %arg3: memref<2000x128xf32, #tpu.memory_space<vmem>>) attributes {dimension_semantics = [#tpu.dimension_semantics<arbitrary>], iteration_bounds = array<i64: 5>, scalar_prefetch = 0 : i64, scratch_operands = 0 : i64, tpu.core_type = #tpu.core_type<tc>, window_params = [{transform_indices = @transform_0, window_bounds = array<i64: 2000, 128>}, {pipeline_mode = #tpu.pipeline_mode<synchronous>, transform_indices = @transform_1, window_bounds = array<i64: 128, 128>}, {transform_indices = @transform_2, window_bounds = array<i64: 2000, 128>}]} {
    %get3A = arith.constant 0 : index
    %get3A_0 = arith.constant 0 : index
    %get3A_1 = vector.load %arg1[%get3A, %get3A_0] : memref<2000x128xf32, #tpu.memory_space<vmem>>, vector<2000x128xf32>
    %get3A_2 = arith.constant 0 : index
    %get3A_3 = arith.constant 0 : index
    %get3A_4 = vector.load %arg2[%get3A_2, %get3A_3] : memref<128x128xf32, #tpu.memory_space<vmem>>, vector<128x128xf32>
    %dot_general3A = arith.constant dense<0.000000e+00> : vector<2000x128xf32>
    %dot_general3A_5 = tpu.matmul %get3A_1, %get3A_4, %dot_general3A {dimension_numbers = #tpu.dot_dimension_numbers<[1], [0], [0], [1], [0, 0, 1, 1], [], []>, transpose_lhs_hint = false} : vector<2000x128xf32>, vector<128x128xf32>, vector<2000x128xf32> -> vector<2000x128xf32>
    %max3A = arith.constant 0.000000e+00 : f32
    %max3A_6 = vector.broadcast %max3A : f32 to vector<2000x128xf32>
    %max3A_7 = arith.maximumf %dot_general3A_5, %max3A_6 : vector<2000x128xf32>
    %swap3A = arith.constant 0 : index
    %swap3A_8 = arith.constant 0 : index
    %swap3A_9 = vector.load %arg3[%swap3A, %swap3A_8] : memref<2000x128xf32, #tpu.memory_space<vmem>>, vector<2000x128xf32>
    tpu.vector_store %arg3[%swap3A, %swap3A_8], %max3A_7 {strides = array<i32>} : memref<2000x128xf32, #tpu.memory_space<vmem>>, vector<2000x128xf32>,
    return
  }
  func.func @transform_0(%arg0: i32) -> (i32, i32) {
    %c0_i32 = arith.constant 0 : i32
    %c0_i32_0 = arith.constant 0 : i32
    return %arg0, %c0_i32 : i32, i32
  }
  func.func @transform_1(%arg0: i32) -> (i32, i32) {
    %c0_i32 = arith.constant 0 : i32
    %c0_i32_0 = arith.constant 0 : i32
    %c0_i32_1 = arith.constant 0 : i32
    return %c0_i32, %c0_i32_0 : i32, i32
  }
  func.func @transform_2(%arg0: i32) -> (i32, i32) {
    %c0_i32 = arith.constant 0 : i32
    %c0_i32_0 = arith.constant 0 : i32
    return %arg0, %c0_i32 : i32, i32
  }
}

</mosaic_0001>

<sc_bundles>
// kernel: kernel.4.cloned.1.call-start
scs
__scs_entry_jumppad:
0x0: {  	(pc) =	sbr.rel $0x88, $3  }
0x1: {  	(tag) =	ssettag $0x0;
	lr =	simm.s32 $0x1  }
0x2: {  	[smem:$0x3F9E] =	sst lr;
	_ =	strace $0xD0000000  }
0x3: {  	_ = 	snop  }
0x4: {  	_ = 	snop  }
0x5: {  	_ = 	snop  }
0x6: {  	_ = 	snop  }
0x7: {  	_ = 	snop  }
__scs_overlays_trampoline_lowered:
0x8: {  	[smem:$0x3FAD] =	sst s0  }
0x9: {  	[smem:$0x3FAE] =	sst s1  }
0xa: {  	[smem:$0x3FAF] =	sst s2  }
0xb: {  	[smem:$0x3FB0] =	sst s3  }
0xc: {  	[smem:$0x3FB1] =	sst s4  }
0xd: {  	[smem:$0x3FB2] =	sst s5  }
0xe: {  	[smem:$0x3FB3] =	sst s6  }
0xf: {  	[smem:$0x3FB4] =	sst s7  }
0x10: {  	[smem:$0x3FB5] =	sst s8  }
0x11: {  	[smem:$0x3FB6] =	sst s9;
	s0 =	simm.s32 @!p0 $0x0  }
0x12: {  	s1 =	sld [smem:$0x3F9C];
	s0 =	simm.s32 @p0 $0x1  }
0x13: {  	[smem:$0x3FB7] =	sst s0;
	s0 =	simm.s32 @!p1 $0x0  }
0x14: {  	s2 =	sld [smem:$0x3F9B];
	s0 =	simm.s32 @p1 $0x1  }
0x15: {  	[smem:$0x3FB8] =	sst s0;
	s0 =	simm.s32 @!p2 $0x0  }
0x16: {  	s3 =	sld [smem:$0x3FDB];
	s0 =	simm.s32 @p2 $0x1  }
0x17: {  	s4 =	simm.s32 $0x1BF5;
	[smem:$0x3FBA] =	sst s0  }
0x18: {  	s0 =	sld [smem:$0x3F9D];
	_ =	swait.ge [sflag:s4], $0x0  }
0x19: {  	s7 =	sld [smem:$0x3F9E]  }
0x1a: {  	s8 =	sadd.s32 $0xFFFFE003, lr  }
0x1b: {  	s9 =	sadd.s32 $0xFFFFFEF7, lr;
	s5 =	simm.s32 $0xFFFFFFFF;
	p2 =	slt.u32 s8, $0xFFFFF086  }
0x1c: {  	p1 =	slt.u32 s9, $0xF7A;
	s5 =	simm.s32 @!p2 $0x0  }
0x1d: {  	s5 =	simm.s32 @p1 $0x1;
	p0 =	seq.s32 s7, s2  }
0x1e: {  	s7 =	smul.u32 @!p0 $0xF7A, s2;
	p2 =	seq.s32 @!p0 s5, $0x0  }
0x1f: {  	s9 =	smul.u32 $0xF7A, s1;
	s8 =	simm.s32 @!p0 $0x1BF5;
	p2 =	por !p2, p0  }
0x20: {  	[sflag:s8] =	ssyncset.s32 @!p0 $0xFFFFF086;
	s6 =	sadd.s32 @!p0 s3, s7;
	s7 =	simm.s32 @!p0 $0x108  }
0x21: {  	s3 =	sadd.s32 s3, s9;
	s6 =	sadd.s32 @!p0 $0x88, s6;
	s7 =	simm.s32 @p2 $0x1082  }
0x22: {  	[simem:s7], [sflag:s8] =	dma.local @!p0 [hbm:s6], $0xF7A  }
0x23: {  	s9 =	sor.u32 $0xD0000000, s2;
	s6 =	simm.s32 $0x108;
	_ =	swait.ge @!p0 [sflag:s8], $0x0  }
0x24: {  	s3 =	sadd.s32 $0x88, s3;
	s6 =	simm.s32 @!p1 $0x1082;
	[sflag:s4] =	ssyncset.s32 $0xFFFFF086  }
0x25: {  	[simem:s6], [sflag:s4] =	dma.local [hbm:s3], $0xF7A  }
0x26: {  	[smem:$0x3F9E] =	sst s1;
	(tag) =	ssettag s2;
	_ =	strace s9  }
0x27: {  	s1 =	sld [smem:$0x3FAE]  }
0x28: {  	s2 =	sld [smem:$0x3FAF]  }
0x29: {  	s4 =	sld [smem:$0x3FB1]  }
0x2a: {  	p0 =	seq.s32 s5, $0x0;
	s5 =	sld [smem:$0x3FB2]  }
0x2b: {  	s6 =	sld [smem:$0x3FB3]  }
0x2c: {  	s7 =	sld [smem:$0x3FB4]  }
0x2d: {  	s3 =	simm.s32 $0x108;
	s8 =	sld [smem:$0x3FB5]  }
0x2e: {  	s3 =	simm.s32 @!p0 $0x1082;
	s9 =	sld [smem:$0x3FB6]  }
0x2f: {  	lr =	sadd.s32 s0, s3;
	s0 =	sld [smem:$0x3FAD]  }
0x30: {  	s3 =	sld [smem:$0x3FB0]  }
0x31: {  	[smem:$0x3FB9] =	sst s10  }
0x32: {  	s10 =	sld [smem:$0x3FB7];
	_ =	sdelay $0x3  }
0x33: {  	p0 =	seq.s32 s10, $0x1;
	s10 =	sld [smem:$0x3FB9];
	_ =	sdelay $0x3  }
0x34: {  	[smem:$0x3FB9] =	sst s10  }
0x35: {  	s10 =	sld [smem:$0x3FB8];
	_ =	sdelay $0x3  }
0x36: {  	p1 =	seq.s32 s10, $0x1;
	s10 =	sld [smem:$0x3FB9];
	_ =	sdelay $0x3  }
0x37: {  	[smem:$0x3FB9] =	sst s10  }
0x38: {  	s10 =	sld [smem:$0x3FBA]  }
0x39: {  	_ = 	snop;
	(pc) =	sbr.ind lr, $3  }
0x3a: {  	_ = 	snop  }
0x3b: {  	_ = 	snop  }
0x3c: {  	p2 =	seq.s32 s10, $0x1;
	s10 =	sld [smem:$0x3FB9]  }
0x3d: {  	_ =	shalt  }
0x3e: {  	_ =	shalt  }
0x3f: {  	_ =	shalt  }
0x40: {  	_ =	shalt  }
0x41: {  	_ =	shalt  }
0x42: {  	_ =	shalt  }
0x43: {  	_ =	shalt  }
0x44: {  	_ =	shalt  }
0x45: {  	_ =	shalt  }
0x46: {  	_ =	shalt  }
0x47: {  	_ =	shalt  }
0x48: {  	_ =	shalt  }
0x49: {  	_ =	shalt  }
0x4a: {  	_ =	shalt  }
0x4b: {  	_ =	shalt  }
0x4c: {  	_ =	shalt  }
0x4d: {  	_ =	shalt  }
0x4e: {  	_ =	shalt  }
0x4f: {  	_ =	shalt  }
0x50: {  	_ =	shalt  }
0x51: {  	_ =	shalt  }
0x52: {  	_ =	shalt  }
0x53: {  	_ =	shalt  }
0x54: {  	_ =	shalt  }
0x55: {  	_ =	shalt  }
0x56: {  	_ =	shalt  }
0x57: {  	_ =	shalt  }
0x58: {  	_ =	shalt  }
0x59: {  	_ =	shalt  }
0x5a: {  	_ =	shalt  }
0x5b: {  	_ =	shalt  }
0x5c: {  	_ =	shalt  }
0x5d: {  	_ =	shalt  }
0x5e: {  	_ =	shalt  }
0x5f: {  	_ =	shalt  }
0x60: {  	_ =	shalt  }
0x61: {  	_ =	shalt  }
0x62: {  	_ =	shalt  }
0x63: {  	_ =	shalt  }
0x64: {  	_ =	shalt  }
0x65: {  	_ =	shalt  }
0x66: {  	_ =	shalt  }
0x67: {  	_ =	shalt  }
0x68: {  	_ =	shalt  }
0x69: {  	_ =	shalt  }
0x6a: {  	_ =	shalt  }
0x6b: {  	_ =	shalt  }
0x6c: {  	_ =	shalt  }
0x6d: {  	_ =	shalt  }
0x6e: {  	_ =	shalt  }
0x6f: {  	_ =	shalt  }
0x70: {  	_ =	shalt  }
0x71: {  	_ =	shalt  }
0x72: {  	_ =	shalt  }
0x73: {  	_ =	shalt  }
0x74: {  	_ =	shalt  }
0x75: {  	_ =	shalt  }
0x76: {  	_ =	shalt  }
0x77: {  	_ =	shalt  }
0x78: {  	_ =	shalt  }
0x79: {  	_ =	shalt  }
0x7a: {  	_ =	shalt  }
0x7b: {  	_ =	shalt  }
0x7c: {  	_ =	shalt  }
0x7d: {  	_ =	shalt  }
0x7e: {  	_ =	shalt  }
0x7f: {  	_ =	shalt  }
0x80: {  	_ =	shalt  }
0x81: {  	_ =	shalt  }
0x82: {  	_ =	shalt  }
0x83: {  	_ =	shalt  }
0x84: {  	_ =	shalt  }
0x85: {  	_ =	shalt  }
0x86: {  	_ =	shalt  }
0x87: {  	_ =	shalt  }
.Lfunc_end0:
.L_simem_size_0:
called_computation_lowered:
.L_overlay_start_0:
0x88: {  	s2 =	sld [smem:$0x3FD9]  }
0x89: {  	s3 =	sld [smem:$0x3FFE];
	_ =	sdelay $0x1  }
0x8a: {  	s1 =	srdreg.scid  }
0x8b: {  	s0 =	sand.u32 $0x1, s1  }
0x8c: {  	s17 =	sshll.u32 s0, $0xA;
	s2 =	sadd.s32 s3, s2  }
0x8d: {  	s2 =	sadd.s32 s2, s17  }
0x8e: {  	[smem:$0x3FC5] =	sst s2  }
0x8f: {  	_ = 	snop  }
0x90: {  	s2 =	sld [smem:$0x3FC8]  }
0x91: {  	s18 =	sld [smem:$0x3FD0];
	(tm) =	ssettm $0x1  }
0x92: {  	s4 =	sld [smem:$0x3FFB];
	_ =	sdelay $0x3  }
0x93: {  	_ =	strace s4  }
0x94: {  	s4 =	sld [smem:$0x3FFC];
	_ =	sdelay $0x3  }
0x95: {  	_ =	strace s4  }
0x96: {  	s4 =	sld [smem:$0x3FFD];
	_ =	sdelay $0x3  }
0x97: {  	_ =	strace s4  }
0x98: {  	_ =	strace $0x8FFFFFFF  }
0x99: {  	s19 =	sld [smem:$0x3FDB];
	_ =	sdelay $0x1  }
0x9a: {  	s5 =	simm.s32 $_scs_section_size  }
0x9b: {  	s6 =	simm.s32 $_size__tile_overlayer_lowered;
	s7 =	simm.s32 $_tile_overlayer_lowered  }
0x9c: {  	s22 =	simm.s32 $0x1BFF;
	s21 =	sshll.u32 s7, $0x1;
	s4 =	sadd.s32 s5, s19  }
0x9d: {  	s8 =	simm.s32 $0x0;
	s20 =	sshll.u32 s6, $0x1;
	s6 =	sadd.s32 s21, s4  }
0x9e: {  	[timem:s8], [sflag:s22] =	dma.local [hbm:s6], s20  }
0x9f: {  	_ =	swait.ge [sflag:s22], s20  }
0xa0: {  	s5 =	ssub.s32 $0x0, s20;
	[sflag:s22] =	ssyncset.done $0x0  }
0xa1: {  	[sflag:s22] =	ssyncadd.s32 s5;
	_ =	sdelay $0x1  }
0xa2: {  	s23 =	simm.s32 $0x1B8B  }
0xa3: {  	_ =	swait.ge [sflag:s23], $0x1  }
0xa4: {  	[sflag:s23] =	ssyncset.done $0x0  }
0xa5: {  	s25 =	simm.s32 $0x1B8E;
	s24 =	sld [smem:$0x3FFE];
	[sflag:s23] =	ssyncadd.s32 $0xFFFFFFFF  }
0xa6: {  	s26 =	simm.s32 $execute0_lowered;
	[smem:$0x3FD2] =	sst s25  }
0xa7: {  	s6 =	sshll.u32 s26, $0x1;
	_ =	strace $0x80000046;
	[dreg:$0x1] =	wrdreg $0xFFFFFFFF  }
0xa8: {  	s28 =	simm.s32 $_size_execute0_lowered;
	s4 =	sadd.s32 s4, s6;
	[dreg:$0x0] =	wrdreg $0x0  }
0xa9: {  	s6 =	sshll.u32 s28, $0x1;
	[dreg:$0x2] =	wrdreg s4  }
0xaa: {  	[dreg:$0x3] =	wrdreg s6  }
0xab: {  	[dreg:$0x4] =	wrdreg $0xC0  }
0xac: {  	_ =	task [dreg:s8], $0x5FFFF  }
0xad: {  	[dreg:$0x1] =	wrdreg $0xFFFFFFFF  }
0xae: {  	[dreg:$0x0] =	wrdreg $0x60  }
0xaf: {  	[dreg:$0x2] =	wrdreg s18  }
0xb0: {  	[dreg:$0x3] =	wrdreg s24  }
0xb1: {  	[dreg:$0x4] =	wrdreg s2  }
0xb2: {  	[dreg:$0x5] =	wrdreg $0x140000  }
0xb3: {  	[dreg:$0x6] =	wrdreg $0x9  }
0xb4: {  	_ =	task.clear_ibuf [dreg:s8], $0x7FFFF;
	_ =	strace $0x90000046  }
0xb5: {  	s29 =	simm.s32 $0x9;
	_ =	strace $0x80000048  }
0xb6: {  	_ =	swait.ge [sflag:s29], $0x1  }
0xb7: {  	[sflag:s29] =	ssyncadd.s32 $0xFFFFFFFF  }
0xb8: {  	_ =	strace $0x90000048  }
0xb9: {  	_ =	sfence  }
0xba: {  	s30 =	sld [smem:$0x0];
	_ =	sdelay $0x2  }
0xbb: {  	s31 =	sshll.u32 s1, $0xD;
	s1 =	sshrl.u32 s1, $0x2  }
0xbc: {  	s3 =	sand.u32 $0x4000, s31;
	s1 =	sadd.s32 s1, s30  }
0xbd: {  	s0 =	sor.u32 s3, s0;
	s1 =	sshll.u32 s1, $0x11  }
0xbe: {  	s0 =	sor.u32 s1, s0  }
0xbf: {  	s0 =	sadd.s32 $0x8F2B, s0  }
0xc0: {  	[sflag:s0] =	ssyncadd.remote.s32 $0x1  }
0xc1: {  	_ =	sfence.sel $0xFFFF  }
0xc2: {  	[dreg:$0x0] =	wrdreg $0xFFFFFFFF;
	(pc) =	sbr.abs _section_cstart, $3  }
0xc3: {  	[dreg:$0x1] =	wrdreg $0xFFFFFFFF  }
0xc4: {  	_ =	task.clear_ibuf [dreg:s8], $0x2FFFF;
	_ =	strace $0x9FFFFFFF  }
0xc5: {  	(tm) =	ssettm $0x7FFFFFFF  }
tec
execute0_lowered:
.L_overlay_start_1:
0x0: {  	(tag) =	ssettag $0x1  }
0x1: {  	s0 =	rddreg [dreg:$0x0]  }
0x2: {  	s1 =	rddreg [dreg:$0x1]  }
0x3: {  	s2 =	rddreg [dreg:$0x2]  }
0x4: {  	s3 =	rddreg [dreg:$0x3];
	s4 =	srdreg.scid  }
0x5: {  	s10 =	stileid.u32;
	s6 =	simm.s32 $0x0;
	s28 =	simm.s32 $0x10000  }
0x6: {  	s29 =	simm.s32 $0x2;
	s30 =	simm.s32 $0x12000;
	s20 =	smul.u32 $0xA00, s10  }
0x7: {  	s31 =	simm.s32 $0x3;
	s5 =	sand.u32 $0x1, s4;
	s11 =	smul.u32 $0x280, s10  }
0x8: {  	[smem:$0x7FF] =	sst s6;
	s8 =	smul.u32 $0x28000, s10;
	s12 =	sadd.s32 $0xA000, s1  }
0x9: {  	s14 =	smul.u32 $0x14000, s10;
	s21 =	ssub.s32 $0x2, s5;
	_ =	strace $0x80000047  }
0xa: {  	s19 =	sshll.u32 s5, $0x6;
	v0 =	vmov s5;
	s5 =	simm.s32 $0xA;
	s7 =	sshrl.u32 s21, $0x1  }
0xb: {  	s0 =	sadd.s32 s0, s20;
	s22 =	sadd.s32 s1, s20;
	s23 =	sshrl.u32 s8, $0x2  }
0xc: {  	s24 =	sadd.s32 $0x80, s11;
	s26 =	sadd.s32 $0x100, s11;
	s13 =	sadd.s32 $0x180, s11  }
0xd: {  	s15 =	sadd.s32 $0x200, s11;
	s20 =	sor.u32 s19, s14;
	[dreg:$0x5] =	wrdreg s0  }
0xe: {  	s6 =	ssub.s32 s21, s7;
	[dreg:$0x6] =	wrdreg s22;
	s7 =	sadd.s32 s23, s3  }
0xf: {  	s25 =	sshll.u32 s24, $0x6;
	s17 =	sshll.u32 s26, $0x6;
	s18 =	sshll.u32 s13, $0x6  }
0x10: {  	s1 =	sshll.u32 s24, $0x7;
	s21 =	sshll.u32 s15, $0x6;
	s16 =	sshrl.u32 s20, $0x3  }
0x11: {  	s23 =	sshll.u32 s26, $0x7;
	s24 =	sshll.u32 s13, $0x7;
	s20 =	simm.s32 $0x1  }
0x12: {  	s8 =	sadd.s32 s25, s3;
	s9 =	sadd.s32 s17, s3;
	s10 =	sadd.s32 s18, s3  }
0x13: {  	s1 =	sor.u32 s19, s1;
	s11 =	sadd.s32 s21, s3;
	s22 =	sadd.s32 s12, s16  }
0x14: {  	s25 =	sshll.u32 s15, $0x7;
	s4 =	sor.u32 s19, s24;
	s17 =	smax.u32 s6, $0x1  }
0x15: {  	s21 =	simm.s32 $0x6;
	s24 =	simm.s32 $0x8;
	s6 =	simm.s32 $0x40  }
0x16: {  	s1 =	sshrl.u32 s1, $0x3;
	[dreg:$0x7] =	wrdreg s22;
	s0 =	sor.u32 s19, s25  }
0x17: {  	s4 =	sshrl.u32 s4, $0x3;
	s22 =	simm.s32 $0x7;
	s25 =	simm.s32 $0xC000  }
0x18: {  	s1 =	sadd.s32 s12, s1;
	s0 =	sshrl.u32 s0, $0x3;
	s26 =	sadd.s32 s12, s4  }
.Ltmp0:
0x19: {  	s4 =	simm.s32 $0x9;
	[dreg:$0x8] =	wrdreg s1;
	(pc) =	sbr.rel .LBB2_1-.Ltmp0, $4  }
0x1a: {  	s1 =	sor.u32 s19, s23;
	[dreg:$0xa] =	wrdreg s26;
	s16 =	sadd.s32 s12, s0  }
0x1b: {  	s19 =	simm.s32 $0xA000;
	s23 =	simm.s32 $0x80;
	s1 =	sshrl.u32 s1, $0x3  }
0x1c: {  	s26 =	simm.s32 $0xE000;
	s0 =	simm.s32 $0x4;
	s1 =	sadd.s32 s12, s1  }
0x1d: {  	v1 =	vimm.f32 $0.0e+00;
	s12 =	simm.s32 $0x0;
	[dreg:$0x9] =	wrdreg s1;
	s1 =	simm.s32 $0x5  }
.LBB2_8:
0x1e: {  	_ =	swait.ge [sflag:s24], $0x2000  }
0x1f: {  	[sflag:s24] =	ssyncset.done $0x0  }
0x20: {  	[sflag:s24] =	ssyncadd.s32 $0xFFFFE000  }
0x21: {  	_ =	swait.ge [sflag:s4], $0x2000  }
0x22: {  	[sflag:s4] =	ssyncset.done $0x0  }
0x23: {  	[sflag:s4] =	ssyncadd.s32 $0xFFFFE000  }
0x24: {  	_ =	swait.ge [sflag:s5], $0x2000  }
0x25: {  	[sflag:s5] =	ssyncset.done $0x0  }
0x26: {  	[sflag:s5] =	ssyncadd.s32 $0xFFFFE000  }
0x27: {  	[bflag:$0x0] =	sbarrier.arrive $0xFFFF  }
0x28: {  	[tilespmem:s19], [sflag:$0x1] =	stream.linear.gather [spmem:s7], $0x2000, $0x38;
	[tilespmem:$0x1E000] =	vst v63  }
0x29: {  	_ =	swait.ge [sflag:s20], $0x2000  }
0x2a: {  	[sflag:s20] =	ssyncset.done $0x0  }
0x2b: {  	[sflag:s20] =	ssyncadd.s32 $0xFFFFE000  }
0x2c: {  	[tilespmem:s25], [sflag:$0x2] =	stream.linear.gather [spmem:s8], $0x2000, $0x38;
	[tilespmem:$0x1E000] =	vst v63  }
0x2d: {  	s13 =	rddreg [dreg:$0x7]  }
0x2e: {  	[hbm4b:s13+s6] =	stream.strided.scatter [tilespmem:s19], [sflag:$0x6], $0x2000, s23, s6, $0x38;
	[tilespmem:$0x1E000] =	vst v63  }
0x2f: {  	_ =	swait.ge [sflag:s29], $0x2000  }
0x30: {  	[sflag:s29] =	ssyncset.done $0x0  }
0x31: {  	[sflag:s29] =	ssyncadd.s32 $0xFFFFE000  }
0x32: {  	_ =	swait.ge [sflag:s21], $0x2000  }
0x33: {  	[sflag:s21] =	ssyncset.done $0x0  }
0x34: {  	[sflag:s21] =	ssyncadd.s32 $0xFFFFE000  }
0x35: {  	[tilespmem:s19], [sflag:$0x1] =	stream.linear.gather [spmem:s9], $0x2000, $0x38;
	[tilespmem:$0x1E000] =	vst v63  }
0x36: {  	s14 =	rddreg [dreg:$0x8]  }
0x37: {  	[hbm4b:s14+s6] =	stream.strided.scatter [tilespmem:s25], [sflag:$0x7], $0x2000, s23, s6, $0x38;
	[tilespmem:$0x1E000] =	vst v63  }
0x38: {  	_ =	swait.ge [sflag:s20], $0x2000  }
0x39: {  	[sflag:s20] =	ssyncset.done $0x0  }
0x3a: {  	[sflag:s20] =	ssyncadd.s32 $0xFFFFE000  }
0x3b: {  	_ =	swait.ge [sflag:s22], $0x2000  }
0x3c: {  	[sflag:s22] =	ssyncset.done $0x0  }
0x3d: {  	[sflag:s22] =	ssyncadd.s32 $0xFFFFE000  }
0x3e: {  	[tilespmem:s25], [sflag:$0x2] =	stream.linear.gather [spmem:s10], $0x2000, $0x38;
	[tilespmem:$0x1E000] =	vst v63  }
0x3f: {  	s15 =	rddreg [dreg:$0x9]  }
0x40: {  	[hbm4b:s15+s6] =	stream.strided.scatter [tilespmem:s19], [sflag:$0x6], $0x2000, s23, s6, $0x38;
	[tilespmem:$0x1E000] =	vst v63  }
0x41: {  	_ =	swait.ge [sflag:s29], $0x2000  }
0x42: {  	[sflag:s29] =	ssyncset.done $0x0  }
0x43: {  	[sflag:s29] =	ssyncadd.s32 $0xFFFFE000  }
0x44: {  	_ =	swait.ge [sflag:s21], $0x2000  }
0x45: {  	[sflag:s21] =	ssyncset.done $0x0  }
0x46: {  	[sflag:s21] =	ssyncadd.s32 $0xFFFFE000  }
0x47: {  	[tilespmem:s19], [sflag:$0x1] =	stream.linear.gather [spmem:s11], $0x2000, $0x38;
	[tilespmem:$0x1E000] =	vst v63  }
0x48: {  	s18 =	rddreg [dreg:$0xa]  }
0x49: {  	[hbm4b:s18+s6] =	stream.strided.scatter [tilespmem:s25], [sflag:$0x7], $0x2000, s23, s6, $0x38;
	[tilespmem:$0x1E000] =	vst v63  }
0x4a: {  	_ =	swait.ge [sflag:s20], $0x2000  }
0x4b: {  	[sflag:s20] =	ssyncset.done $0x0  }
0x4c: {  	[sflag:s20] =	ssyncadd.s32 $0xFFFFE000  }
0x4d: {  	s12 =	sadd.s32 $0x1, s12;
	_ =	swait.ge [sflag:s22], $0x2000  }
0x4e: {  	p0 =	sne.s32 s12, s17;
	[sflag:s22] =	ssyncset.done $0x0  }
.Ltmp1:
0x4f: {  	[sflag:s22] =	ssyncadd.s32 $0xFFFFE000;
	(pc) =	sbr.rel @!p0 .LBB2_9-.Ltmp1, $4  }
0x50: {  	[hbm4b:s16+s6] =	stream.strided.scatter [tilespmem:s19], [sflag:$0x6], $0x2000, s23, s6, $0x38;
	[tilespmem:$0x1E000] =	vst v63  }
0x51: {  	_ =	swait.ge [sflag:s21], $0x2000  }
0x52: {  	[sflag:s21] =	ssyncset.done $0x0  }
0x53: {  	[sflag:s21] =	ssyncadd.s32 $0xFFFFE000  }
.LBB2_1:
0x54: {  	s13 =	simm.s32 $0x0;
	s14 =	rddreg [dreg:$0x5]  }
0x55: {  	[tilespmem:s13], [sflag:$0x6] =	stream.linear.gather [hbm4b:s14+s13], $0x5000, $0x38;
	[tilespmem:$0x1E000] =	vst v63  }
0x56: {  	s18 =	rddreg [dreg:$0x6];
	s15 =	simm.s32 $0x5000  }
0x57: {  	[tilespmem:s15], [sflag:$0x7] =	stream.linear.gather [hbm4b:s18+s13], $0x5000, $0x38;
	[tilespmem:$0x1E000] =	vst v63  }
0x58: {  	s14 =	simm.s32 $0x100;
	s13 =	simm.s32 $0x0  }
.LBB2_2:
0x59: {  	p0 =	sne.s32 s14, $0x7F00;
	[tilespmem:s13+$0xA030] =	vst v1;
	s18 =	smov.u32 s14;
	s14 =	sadd.s32 $0x100, s14  }
.Ltmp2:
0x5a: {  	[tilespmem:s13+$0xA020] =	vst v1;
	(pc) =	sbr.rel @p0 .LBB2_2-.Ltmp2, $3  }
0x5b: {  	[tilespmem:s13+$0xA000] =	vst v1  }
0x5c: {  	[tilespmem:s13+$0xA010] =	vst v1;
	_ =	sdelay $0x1  }
0x5d: {  	s13 =	sshra.s32 s18, $0x2  }
0x5e: {  	[tilespmem:s13+$0xA030] =	vst v1  }
0x5f: {  	[tilespmem:s13+$0xA020] =	vst v1  }
0x60: {  	[tilespmem:s13+$0xA000] =	vst v1  }
0x61: {  	[tilespmem:s13+$0xA010] =	vst v1  }
0x62: {  	[spmem:s7] =	stream.linear.scatter [tilespmem:s19], [sflag:$0x1], $0x2000, $0x38;
	[tilespmem:$0x1E000] =	vst v63  }
0x63: {  	_ = 	snop  }
0x64: {  	[spmem:s8] =	stream.linear.scatter [tilespmem:s19], [sflag:$0x1], $0x2000, $0x38;
	[tilespmem:$0x1E000] =	vst v63  }
0x65: {  	_ = 	snop  }
0x66: {  	[spmem:s9] =	stream.linear.scatter [tilespmem:s19], [sflag:$0x1], $0x2000, $0x38;
	[tilespmem:$0x1E000] =	vst v63  }
0x67: {  	_ = 	snop  }
0x68: {  	[spmem:s10] =	stream.linear.scatter [tilespmem:s19], [sflag:$0x1], $0x2000, $0x38;
	[tilespmem:$0x1E000] =	vst v63  }
0x69: {  	_ = 	snop  }
0x6a: {  	[spmem:s11] =	stream.linear.scatter [tilespmem:s19], [sflag:$0x1], $0x2000, $0x38;
	[tilespmem:$0x1E000] =	vst v63  }
0x6b: {  	_ =	swait.ge [sflag:s20], $0x2000  }
0x6c: {  	[sflag:s20] =	ssyncset.done $0x0  }
0x6d: {  	[sflag:s20] =	ssyncadd.s32 $0xFFFFE000  }
0x6e: {  	_ =	swait.ge [sflag:s20], $0x2000  }
0x6f: {  	[sflag:s20] =	ssyncset.done $0x0  }
0x70: {  	[sflag:s20] =	ssyncadd.s32 $0xFFFFE000  }
0x71: {  	_ =	swait.ge [sflag:s20], $0x2000  }
0x72: {  	[sflag:s20] =	ssyncset.done $0x0  }
0x73: {  	[sflag:s20] =	ssyncadd.s32 $0xFFFFE000  }
0x74: {  	_ =	swait.ge [sflag:s20], $0x2000  }
0x75: {  	[sflag:s20] =	ssyncset.done $0x0  }
0x76: {  	[sflag:s20] =	ssyncadd.s32 $0xFFFFE000  }
0x77: {  	_ =	swait.ge [sflag:s20], $0x2000  }
0x78: {  	[sflag:s20] =	ssyncset.done $0x0  }
0x79: {  	[sflag:s20] =	ssyncadd.s32 $0xFFFFE000  }
0x7a: {  	_ =	swait.ge [sflag:s21], $0x5000  }
0x7b: {  	[sflag:s21] =	ssyncset.done $0x0  }
0x7c: {  	[sflag:s21] =	ssyncadd.s32 $0xFFFFB000  }
0x7d: {  	_ =	swait.ge [sflag:s22], $0x5000  }
0x7e: {  	[sflag:s22] =	ssyncset.done $0x0  }
0x7f: {  	[sflag:s22] =	ssyncadd.s32 $0xFFFFB000  }
0x80: {  	v2 =	vld [tilespmem:$0x5000]  }
0x81: {  	v3 =	vld [tilespmem:$0x5010]  }
0x82: {  	v4 =	vld [tilespmem:$0x5020]  }
0x83: {  	v5 =	vld [tilespmem:$0x5030]  }
0x84: {  	v6 =	vld [tilespmem:$0x5040]  }
0x85: {  	v7 =	vld [tilespmem:$0x5050];
	v2 =	vshll.u32 v2, $0x1  }
0x86: {  	v8 =	vld [tilespmem:$0x5060];
	v3 =	vshll.u32 v3, $0x1;
	v2 =	vor.u32 v0, v2  }
0x87: {  	v57 =	vld [tilespmem:$0x5070];
	[tilespmem:$0x5000] =	vst v2;
	v2 =	vor.u32 v0, v3;
	v3 =	vshll.u32 v4, $0x1  }
0x88: {  	[tilespmem:$0x5010] =	vst v2;
	v2 =	vor.u32 v0, v3;
	v3 =	vshll.u32 v5, $0x1  }
0x89: {  	[tilespmem:$0x5020] =	vst v2;
	v2 =	vor.u32 v0, v3;
	v3 =	vshll.u32 v6, $0x1  }
0x8a: {  	[tilespmem:$0x5030] =	vst v2;
	v2 =	vor.u32 v0, v3;
	v3 =	vshll.u32 v7, $0x1  }
0x8b: {  	[tilespmem:$0x5040] =	vst v2;
	v2 =	vor.u32 v0, v3;
	v3 =	vshll.u32 v8, $0x1  }
0x8c: {  	[tilespmem:$0x5050] =	vst v2;
	v2 =	vor.u32 v0, v3;
	v3 =	vshll.u32 v57, $0x1  }
0x8d: {  	[tilespmem:$0x5060] =	vst v2;
	v2 =	vor.u32 v0, v3  }
0x8e: {  	s15 =	simm.s32 $0x5000;
	[tilespmem:$0x5070] =	vst v2  }
0x8f: {  	[tilespmem:s19], [sflag:$0x1] =	stream.indirect.gather [hbm4b:s2+s23], $0x40, s15, s23, $0xb8;
	[tilespmem:$0x1E000] =	vst v63  }
0x90: {  	v2 =	vld [tilespmem:$0x5080]  }
0x91: {  	v3 =	vld [tilespmem:$0x5090]  }
0x92: {  	v58 =	vld [tilespmem:$0x50A0]  }
0x93: {  	v59 =	vld [tilespmem:$0x50B0]  }
0x94: {  	v60 =	vld [tilespmem:$0x50C0]  }
0x95: {  	v61 =	vld [tilespmem:$0x50D0];
	v2 =	vshll.u32 v2, $0x1  }
0x96: {  	v62 =	vld [tilespmem:$0x50E0];
	v3 =	vshll.u32 v3, $0x1;
	v2 =	vor.u32 v0, v2  }
0x97: {  	v63 =	vld [tilespmem:$0x50F0];
	[tilespmem:$0x5080] =	vst v2;
	v2 =	vor.u32 v0, v3;
	v3 =	vshll.u32 v58, $0x1  }
0x98: {  	[tilespmem:$0x5090] =	vst v2;
	v2 =	vor.u32 v0, v3;
	v3 =	vshll.u32 v59, $0x1  }
0x99: {  	[tilespmem:$0x50A0] =	vst v2;
	v2 =	vor.u32 v0, v3;
	v3 =	vshll.u32 v60, $0x1  }
0x9a: {  	[tilespmem:$0x50B0] =	vst v2;
	v2 =	vor.u32 v0, v3;
	v3 =	vshll.u32 v61, $0x1  }
0x9b: {  	[tilespmem:$0x50C0] =	vst v2;
	v2 =	vor.u32 v0, v3;
	v3 =	vshll.u32 v62, $0x1  }
0x9c: {  	[tilespmem:$0x50D0] =	vst v2;
	v2 =	vor.u32 v0, v3;
	v3 =	vshll.u32 v63, $0x1  }
.Ltmp3:
0x9d: {  	[tilespmem:$0x50E0] =	vst v2;
	v2 =	vor.u32 v0, v3;
	(pc) =	sbr.rel .LBB2_4-.Ltmp3, $4  }
0x9e: {  	s18 =	simm.s32 $0x5080;
	[tilespmem:$0x50F0] =	vst v2  }
0x9f: {  	[tilespmem:s25], [sflag:$0x2] =	stream.indirect.gather [hbm4b:s2+s23], $0x40, s18, s23, $0xb8;
	[tilespmem:$0x1E000] =	vst v63  }
0xa0: {  	[bflag:$0x0] =	sbarrier.arrive $0xFFFF  }
0xa1: {  	s13 =	simm.s32 $0x0  }
.LBB2_6:
0xa2: {  	_ =	swait.ge [sflag:s0], $0x2000  }
0xa3: {  	[sflag:s0] =	ssyncset.done $0x0  }
0xa4: {  	[sflag:s0] =	ssyncadd.s32 $0xFFFFE000  }
0xa5: {  	[spmem:s3] =	stream.indirect.scatter.add.f32 [tilespmem:s28], [sflag:$0x9], $0x40, s14, s23, $0xb8;
	[tilespmem:$0x1E000] =	vst v63  }
0xa6: {  	_ =	swait.ge [sflag:s22], $0x2000  }
0xa7: {  	[sflag:s22] =	ssyncset.done $0x0  }
0xa8: {  	[sflag:s22] =	ssyncadd.s32 $0xFFFFE000  }
.LBB2_7:
0xa9: {  	s13 =	sadd.s32 $0xA00, s13  }
0xaa: {  	p0 =	sne.s32 s13, $0x14000  }
.Ltmp4:
0xab: {  	_ = 	snop;
	(pc) =	sbr.rel @!p0 .LBB2_8-.Ltmp4, $4  }
0xac: {  	_ =	swait.ge [sflag:s1], $0x2000  }
0xad: {  	[sflag:s1] =	ssyncset.done $0x0  }
0xae: {  	s14 =	sadd.s32 $0x200, s18;
	[sflag:s1] =	ssyncadd.s32 $0xFFFFE000  }
0xaf: {  	[spmem:s3] =	stream.indirect.scatter.add.f32 [tilespmem:s30], [sflag:$0xA], $0x40, s14, s23, $0xb8;
	[tilespmem:$0x1E000] =	vst v63  }
.LBB2_4:
0xb0: {  	p0 =	seq.s32 s13, $0x0  }
0xb1: {  	s14 =	simm.s32 @!p0 $0x8  }
0xb2: {  	_ =	swait.ge @!p0 [sflag:s14], $0x2000  }
0xb3: {  	[sflag:s14] =	ssyncset.done @!p0 $0x0  }
0xb4: {  	s18 =	sshra.s32 s13, $0x2;
	[sflag:s14] =	ssyncadd.s32 @!p0 $0xFFFFE000  }
0xb5: {  	v2 =	vld [tilespmem:s18+$0x5100]  }
0xb6: {  	v3 =	vld [tilespmem:s18+$0x5110]  }
0xb7: {  	v4 =	vld [tilespmem:s18+$0x5120]  }
0xb8: {  	v5 =	vld [tilespmem:s18+$0x5130]  }
0xb9: {  	v6 =	vld [tilespmem:s18+$0x5140]  }
0xba: {  	v7 =	vld [tilespmem:s18+$0x5150];
	v2 =	vshll.u32 v2, $0x1  }
0xbb: {  	v8 =	vld [tilespmem:s18+$0x5160];
	v3 =	vshll.u32 v3, $0x1;
	v2 =	vor.u32 v0, v2  }
0xbc: {  	v51 =	vld [tilespmem:s18+$0x5170];
	[tilespmem:s18+$0x5100] =	vst v2;
	v2 =	vor.u32 v0, v3;
	v3 =	vshll.u32 v4, $0x1  }
0xbd: {  	[tilespmem:s18+$0x5110] =	vst v2;
	v2 =	vor.u32 v0, v3;
	v3 =	vshll.u32 v5, $0x1  }
0xbe: {  	[tilespmem:s18+$0x5120] =	vst v2;
	v2 =	vor.u32 v0, v3;
	v3 =	vshll.u32 v6, $0x1  }
0xbf: {  	[tilespmem:s18+$0x5130] =	vst v2;
	v2 =	vor.u32 v0, v3;
	v3 =	vshll.u32 v7, $0x1  }
0xc0: {  	[tilespmem:s18+$0x5140] =	vst v2;
	v2 =	vor.u32 v0, v3;
	v3 =	vshll.u32 v8, $0x1  }
0xc1: {  	[tilespmem:s18+$0x5150] =	vst v2;
	v2 =	vor.u32 v0, v3;
	v3 =	vshll.u32 v51, $0x1  }
0xc2: {  	[tilespmem:s18+$0x5160] =	vst v2;
	v2 =	vor.u32 v0, v3  }
0xc3: {  	s15 =	sadd.s32 $0x5100, s18;
	[tilespmem:s18+$0x5170] =	vst v2  }
0xc4: {  	[tilespmem:s26], [sflag:$0x3] =	stream.indirect.gather [hbm4b:s2+s23], $0x40, s15, s23, $0xb8;
	[tilespmem:$0x1E000] =	vst v63  }
0xc5: {  	_ =	swait.ge [sflag:s20], $0x2000  }
0xc6: {  	[sflag:s20] =	ssyncset.done $0x0  }
0xc7: {  	s14 =	simm.s32 @!p0 $0x9;
	[sflag:s20] =	ssyncadd.s32 $0xFFFFE000  }
0xc8: {  	[spmem:s3] =	stream.indirect.scatter.add.f32 [tilespmem:s19], [sflag:$0x6], $0x40, s18, s23, $0xb8;
	[tilespmem:$0x1E000] =	vst v63  }
0xc9: {  	_ =	swait.ge @!p0 [sflag:s14], $0x2000  }
0xca: {  	[sflag:s14] =	ssyncset.done @!p0 $0x0  }
0xcb: {  	[sflag:s14] =	ssyncadd.s32 @!p0 $0xFFFFE000  }
0xcc: {  	v2 =	vld [tilespmem:s18+$0x5180]  }
0xcd: {  	v3 =	vld [tilespmem:s18+$0x5190]  }
0xce: {  	v52 =	vld [tilespmem:s18+$0x51A0]  }
0xcf: {  	v53 =	vld [tilespmem:s18+$0x51B0]  }
0xd0: {  	v54 =	vld [tilespmem:s18+$0x51C0]  }
0xd1: {  	v55 =	vld [tilespmem:s18+$0x51D0];
	v2 =	vshll.u32 v2, $0x1  }
0xd2: {  	v56 =	vld [tilespmem:s18+$0x51E0];
	v3 =	vshll.u32 v3, $0x1;
	v2 =	vor.u32 v0, v2  }
0xd3: {  	v57 =	vld [tilespmem:s18+$0x51F0];
	[tilespmem:s18+$0x5180] =	vst v2;
	v2 =	vor.u32 v0, v3;
	v3 =	vshll.u32 v52, $0x1  }
0xd4: {  	[tilespmem:s18+$0x5190] =	vst v2;
	v2 =	vor.u32 v0, v3;
	v3 =	vshll.u32 v53, $0x1  }
0xd5: {  	[tilespmem:s18+$0x51A0] =	vst v2;
	v2 =	vor.u32 v0, v3;
	v3 =	vshll.u32 v54, $0x1  }
0xd6: {  	[tilespmem:s18+$0x51B0] =	vst v2;
	v2 =	vor.u32 v0, v3;
	v3 =	vshll.u32 v55, $0x1  }
0xd7: {  	[tilespmem:s18+$0x51C0] =	vst v2;
	v2 =	vor.u32 v0, v3;
	v3 =	vshll.u32 v56, $0x1  }
0xd8: {  	[tilespmem:s18+$0x51D0] =	vst v2;
	v2 =	vor.u32 v0, v3;
	v3 =	vshll.u32 v57, $0x1  }
0xd9: {  	[tilespmem:s18+$0x51E0] =	vst v2;
	v2 =	vor.u32 v0, v3  }
0xda: {  	s15 =	sadd.s32 $0x5180, s18;
	[tilespmem:s18+$0x51F0] =	vst v2  }
0xdb: {  	[tilespmem:s28], [sflag:$0x4] =	stream.indirect.gather [hbm4b:s2+s23], $0x40, s15, s23, $0xb8;
	[tilespmem:$0x1E000] =	vst v63  }
0xdc: {  	_ =	swait.ge [sflag:s29], $0x2000  }
0xdd: {  	[sflag:s29] =	ssyncset.done $0x0  }
0xde: {  	s14 =	simm.s32 @!p0 $0xA;
	s15 =	sadd.s32 $0x80, s18;
	[sflag:s29] =	ssyncadd.s32 $0xFFFFE000  }
0xdf: {  	[spmem:s3] =	stream.indirect.scatter.add.f32 [tilespmem:s25], [sflag:$0x7], $0x40, s15, s23, $0xb8;
	[tilespmem:$0x1E000] =	vst v63  }
0xe0: {  	_ =	swait.ge @!p0 [sflag:s14], $0x2000  }
0xe1: {  	[sflag:s14] =	ssyncset.done @!p0 $0x0  }
0xe2: {  	[sflag:s14] =	ssyncadd.s32 @!p0 $0xFFFFE000  }
0xe3: {  	v2 =	vld [tilespmem:s18+$0x5200]  }
0xe4: {  	v3 =	vld [tilespmem:s18+$0x5210]  }
0xe5: {  	v58 =	vld [tilespmem:s18+$0x5220]  }
0xe6: {  	v59 =	vld [tilespmem:s18+$0x5230]  }
0xe7: {  	v60 =	vld [tilespmem:s18+$0x5240]  }
0xe8: {  	v61 =	vld [tilespmem:s18+$0x5250];
	v2 =	vshll.u32 v2, $0x1  }
0xe9: {  	v62 =	vld [tilespmem:s18+$0x5260];
	v3 =	vshll.u32 v3, $0x1;
	v2 =	vor.u32 v0, v2  }
0xea: {  	v63 =	vld [tilespmem:s18+$0x5270];
	[tilespmem:s18+$0x5200] =	vst v2;
	v2 =	vor.u32 v0, v3;
	v3 =	vshll.u32 v58, $0x1  }
0xeb: {  	[tilespmem:s18+$0x5210] =	vst v2;
	v2 =	vor.u32 v0, v3;
	v3 =	vshll.u32 v59, $0x1  }
0xec: {  	[tilespmem:s18+$0x5220] =	vst v2;
	v2 =	vor.u32 v0, v3;
	v3 =	vshll.u32 v60, $0x1  }
0xed: {  	[tilespmem:s18+$0x5230] =	vst v2;
	v2 =	vor.u32 v0, v3;
	v3 =	vshll.u32 v61, $0x1  }
0xee: {  	[tilespmem:s18+$0x5240] =	vst v2;
	v2 =	vor.u32 v0, v3;
	v3 =	vshll.u32 v62, $0x1  }
0xef: {  	[tilespmem:s18+$0x5250] =	vst v2;
	v2 =	vor.u32 v0, v3;
	v3 =	vshll.u32 v63, $0x1  }
0xf0: {  	[tilespmem:s18+$0x5260] =	vst v2;
	v2 =	vor.u32 v0, v3  }
0xf1: {  	s15 =	sadd.s32 $0x5200, s18;
	[tilespmem:s18+$0x5270] =	vst v2  }
0xf2: {  	[tilespmem:s30], [sflag:$0x5] =	stream.indirect.gather [hbm4b:s2+s23], $0x40, s15, s23, $0xb8;
	[tilespmem:$0x1E000] =	vst v63  }
0xf3: {  	_ =	swait.ge [sflag:s31], $0x2000  }
0xf4: {  	p0 =	seq.s32 s13, $0x13600;
	[sflag:s31] =	ssyncset.done $0x0  }
.Ltmp5:
0xf5: {  	s15 =	sadd.s32 $0x100, s18;
	[sflag:s31] =	ssyncadd.s32 $0xFFFFE000;
	(pc) =	sbr.rel @p0 .LBB2_6-.Ltmp5, $4  }
0xf6: {  	[spmem:s3] =	stream.indirect.scatter.add.f32 [tilespmem:s26], [sflag:$0x8], $0x40, s15, s23, $0xb8;
	[tilespmem:$0x1E000] =	vst v63  }
0xf7: {  	_ =	swait.ge [sflag:s21], $0x2000  }
0xf8: {  	[sflag:s21] =	ssyncset.done $0x0  }
0xf9: {  	s14 =	sadd.s32 $0x180, s18;
	[sflag:s21] =	ssyncadd.s32 $0xFFFFE000  }
0xfa: {  	v2 =	vld [tilespmem:s18+$0x5280]  }
0xfb: {  	v3 =	vld [tilespmem:s18+$0x5290]  }
0xfc: {  	v4 =	vld [tilespmem:s18+$0x52A0]  }
0xfd: {  	v5 =	vld [tilespmem:s18+$0x52B0]  }
0xfe: {  	v6 =	vld [tilespmem:s18+$0x52C0]  }
0xff: {  	v7 =	vld [tilespmem:s18+$0x52D0];
	v2 =	vshll.u32 v2, $0x1  }
0x100: {  	v8 =	vld [tilespmem:s18+$0x52E0];
	v3 =	vshll.u32 v3, $0x1;
	v2 =	vor.u32 v0, v2  }
0x101: {  	v57 =	vld [tilespmem:s18+$0x52F0];
	[tilespmem:s18+$0x5280] =	vst v2;
	v2 =	vor.u32 v0, v3;
	v3 =	vshll.u32 v4, $0x1  }
0x102: {  	[tilespmem:s18+$0x5290] =	vst v2;
	v2 =	vor.u32 v0, v3;
	v3 =	vshll.u32 v5, $0x1  }
0x103: {  	[tilespmem:s18+$0x52A0] =	vst v2;
	v2 =	vor.u32 v0, v3;
	v3 =	vshll.u32 v6, $0x1  }
0x104: {  	[tilespmem:s18+$0x52B0] =	vst v2;
	v2 =	vor.u32 v0, v3;
	v3 =	vshll.u32 v7, $0x1  }
0x105: {  	[tilespmem:s18+$0x52C0] =	vst v2;
	v2 =	vor.u32 v0, v3;
	v3 =	vshll.u32 v8, $0x1  }
0x106: {  	[tilespmem:s18+$0x52D0] =	vst v2;
	v2 =	vor.u32 v0, v3;
	v3 =	vshll.u32 v57, $0x1  }
0x107: {  	[tilespmem:s18+$0x52E0] =	vst v2;
	v2 =	vor.u32 v0, v3  }
0x108: {  	s15 =	sadd.s32 $0x5280, s18;
	[tilespmem:s18+$0x52F0] =	vst v2  }
0x109: {  	[tilespmem:s19], [sflag:$0x1] =	stream.indirect.gather [hbm4b:s2+s23], $0x40, s15, s23, $0xb8;
	[tilespmem:$0x1E000] =	vst v63  }
0x10a: {  	_ =	swait.ge [sflag:s0], $0x2000  }
0x10b: {  	[sflag:s0] =	ssyncset.done $0x0  }
0x10c: {  	[sflag:s0] =	ssyncadd.s32 $0xFFFFE000  }
0x10d: {  	[spmem:s3] =	stream.indirect.scatter.add.f32 [tilespmem:s28], [sflag:$0x9], $0x40, s14, s23, $0xb8;
	[tilespmem:$0x1E000] =	vst v63  }
0x10e: {  	_ =	swait.ge [sflag:s22], $0x2000  }
0x10f: {  	[sflag:s22] =	ssyncset.done $0x0  }
0x110: {  	[sflag:s22] =	ssyncadd.s32 $0xFFFFE000  }
0x111: {  	v2 =	vld [tilespmem:s18+$0x5300]  }
0x112: {  	v3 =	vld [tilespmem:s18+$0x5310]  }
0x113: {  	v58 =	vld [tilespmem:s18+$0x5320]  }
0x114: {  	v59 =	vld [tilespmem:s18+$0x5330]  }
0x115: {  	v60 =	vld [tilespmem:s18+$0x5340]  }
0x116: {  	v61 =	vld [tilespmem:s18+$0x5350];
	v2 =	vshll.u32 v2, $0x1  }
0x117: {  	v62 =	vld [tilespmem:s18+$0x5360];
	v3 =	vshll.u32 v3, $0x1;
	v2 =	vor.u32 v0, v2  }
0x118: {  	v63 =	vld [tilespmem:s18+$0x5370];
	[tilespmem:s18+$0x5300] =	vst v2;
	v2 =	vor.u32 v0, v3;
	v3 =	vshll.u32 v58, $0x1  }
0x119: {  	[tilespmem:s18+$0x5310] =	vst v2;
	v2 =	vor.u32 v0, v3;
	v3 =	vshll.u32 v59, $0x1  }
0x11a: {  	[tilespmem:s18+$0x5320] =	vst v2;
	v2 =	vor.u32 v0, v3;
	v3 =	vshll.u32 v60, $0x1  }
0x11b: {  	[tilespmem:s18+$0x5330] =	vst v2;
	v2 =	vor.u32 v0, v3;
	v3 =	vshll.u32 v61, $0x1  }
.Ltmp6:
0x11c: {  	[tilespmem:s18+$0x5340] =	vst v2;
	v2 =	vor.u32 v0, v3;
	v3 =	vshll.u32 v62, $0x1;
	(pc) =	sbr.rel .LBB2_7-.Ltmp6, $4  }
0x11d: {  	[tilespmem:s18+$0x5350] =	vst v2;
	v2 =	vor.u32 v0, v3;
	v3 =	vshll.u32 v63, $0x1  }
0x11e: {  	[tilespmem:s18+$0x5360] =	vst v2;
	v2 =	vor.u32 v0, v3  }
0x11f: {  	s15 =	sadd.s32 $0x5300, s18;
	[tilespmem:s18+$0x5370] =	vst v2  }
0x120: {  	[tilespmem:s25], [sflag:$0x2] =	stream.indirect.gather [hbm4b:s2+s23], $0x40, s15, s23, $0xb8;
	[tilespmem:$0x1E000] =	vst v63  }
.LBB2_9:
0x121: {  	_ =	sfence.sel $0x180000  }
0x122: {  	[bflag:$0x0] =	sbarrier.arrive $0xFFFF  }
0x123: {  	_ =	strace $0x90000047  }
0x124: {  	s0 =	stileid.u32;
	[bflag:$0x2] =	sbarrier.arrive $0xFFFF  }
0x125: {  	p0 =	sne.s32 s0, $0x0;
	s0 =	rddreg [dreg:$0x4]  }
0x126: {  	s0 =	sadd.s32 @!p0 $0x100000, s0  }
0x127: {  	[sflag:s0] =	ssyncadd.tile.s32 @!p0 $0x1;
	_ =	shalt  }
.Lfunc_end2:
_tile_overlayer_lowered:
.L_overlay_start_2:
0x128: {  	(tag) =	ssettag $0x2  }
0x129: {  	s0 =	rddreg [dreg:$0x0];
	s2 =	stileid.u32  }
0x12a: {  	s1 =	rddreg [dreg:$0x1];
	p0 =	sne.s32 s2, $0x0  }
0x12b: {  	s3 =	rddreg [dreg:$0x2];
	[bflag:$0x3] =	sbarrier.arrive $0xFFFF;
	s2 =	simm.s32 @!p0 $0x1C0B  }
0x12c: {  	[timem:s3], [sflag:s2] =	dma.local @!p0 [hbm:s0], s1  }
0x12d: {  	s0 =	simm.s32 @!p0 $0xB  }
0x12e: {  	_ =	swait.ge @!p0 [sflag:s0], s1  }
0x12f: {  	s1 =	ssub.s32 @!p0 $0x0, s1;
	[sflag:s0] =	ssyncset.done @!p0 $0x0  }
0x130: {  	[sflag:s0] =	ssyncadd.s32 @!p0 s1  }
0x131: {  	[bflag:$0x3] =	sbarrier.arrive $0xFFFF  }
0x132: {  	_ =	shalt  }

</sc_bundles>
